<compile_context>
chip_gen: v7x
topology: tpu7x:2x2x1
jax: 0.10.2.dev20260603
libtpu: 0.0.44.dev20260713+nightly
codegen_flags: <defaults>
</compile_context>

<pallas_src>
import jax
import jax.numpy as jnp
from jax import lax
from jax.experimental import pallas as pl
from jax.experimental.pallas import tpu as pltpu
from jax.experimental.pallas import tpu_sc as plsc

B = 1024
SEQ = 77
D = 512
N_PRE = 7
N_SHARE = 16
N_ATTR = 15
N_SUF = 39
N_GATH = N_PRE + N_SUF
SH_OFF = N_PRE
AT_OFF = N_PRE + N_SHARE
NC = 2
NS = 16
NW = NC * NS
BPW = B // NW
NBUF = 4
NTC = N_SHARE + N_GATH


def _sc_body(attr_hbm, out_hbm, buf0, buf1, buf2, buf3,
             sem_i0, sem_i1, sem_i2, sem_i3,
             sem_o0, sem_o1, sem_o2, sem_o3):
    bufs = [buf0, buf1, buf2, buf3]
    sem_i = [sem_i0, sem_i1, sem_i2, sem_i3]
    sem_o = [sem_o0, sem_o1, sem_o2, sem_o3]
    wid = lax.axis_index("s") * NC + lax.axis_index("c")
    base = wid * BPW

    def attr_in(k):
        p = k % NBUF
        return pltpu.async_copy(
            attr_hbm.at[k, pl.ds(base, BPW)], bufs[p], sem_i[p])

    h_in = [attr_in(k) for k in range(NBUF)]
    h_out = [None] * NBUF
    for k in range(N_ATTR):
        p = k % NBUF
        h_in[p].wait()
        h_out[p] = pltpu.async_copy(
            bufs[p], out_hbm.at[AT_OFF + k, pl.ds(base, BPW)], sem_o[p])
        if k + NBUF < N_ATTR:
            h_out[p].wait()
            h_out[p] = None
            h_in[p] = attr_in(k + NBUF)
    for h in h_out:
        if h is not None:
            h.wait()


@jax.jit
def _sc_patch(attr_t):
    mesh = plsc.VectorSubcoreMesh(core_axis_name="c", subcore_axis_name="s")
    f = pl.kernel(
        _sc_body,
        out_type=jax.ShapeDtypeStruct((SEQ, B, D), jnp.float32),
        mesh=mesh,
        scratch_types=(
            [pltpu.VMEM((BPW, D), jnp.float32) for _ in range(NBUF)]
            + [pltpu.SemaphoreType.DMA for _ in range(2 * NBUF)]
        ),
    )
    return f(attr_t)


def _tc_body(vid_ref, gtab_ref, share_ref, out1_ref, out_ref):
    g = pl.program_id(0)

    @pl.when(g < N_SHARE)
    def _share():
        row = share_ref[pl.ds(jnp.minimum(g, N_SHARE - 1), 1), :]
        out_ref[...] = jnp.broadcast_to(row[None], (1, B, D))

    @pl.when(g >= N_SHARE)
    def _gather():
        s = jnp.minimum(g - N_SHARE, N_GATH - 1)
        vb = vid_ref[...]
        t0 = jnp.broadcast_to(gtab_ref[pl.ds(0, 1), pl.ds(s, 1), :],
                              (1, B, D))
        t1 = jnp.broadcast_to(gtab_ref[pl.ds(1, 1), pl.ds(s, 1), :],
                              (1, B, D))
        t2 = jnp.broadcast_to(gtab_ref[pl.ds(2, 1), pl.ds(s, 1), :],
                              (1, B, D))
        out_ref[...] = jnp.where(vb == 0, t0, jnp.where(vb == 1, t1, t2))


def _out_row(g):
    s = g - N_SHARE
    return jnp.where(g < N_SHARE, N_PRE + g,
                     jnp.where(s < N_PRE, s, s + (SEQ - N_GATH)))


@jax.jit
def _tc_fill(out1, gtab, share, vid3):
    return pl.pallas_call(
        _tc_body,
        grid=(NTC,),
        out_shape=jax.ShapeDtypeStruct((SEQ, B, D), jnp.float32),
        in_specs=[
            pl.BlockSpec((1, B, 1), lambda g: (0, 0, 0)),
            pl.BlockSpec((3, N_GATH, D), lambda g: (0, 0, 0)),
            pl.BlockSpec((N_SHARE, D), lambda g: (0, 0)),
            pl.BlockSpec(memory_space=pl.ANY),
        ],
        out_specs=pl.BlockSpec((1, B, D), lambda g: (_out_row(g), 0, 0)),
        input_output_aliases={3: 0},
    )(vid3, gtab, share, out1)


def kernel(attribute, viewids, token_prefix, token_suffix, share_vectors):
    gtab = jnp.concatenate([token_prefix[:, 0], token_suffix[:, 0]],
                           axis=1)
    attr_t = jnp.transpose(attribute, (1, 0, 2))
    vid3 = viewids.astype(jnp.int32).reshape(1, B, 1)
    out1 = _sc_patch(attr_t)
    out_t = _tc_fill(out1, gtab, share_vectors, vid3)
    return jnp.transpose(out_t, (1, 0, 2))

# --- scband reference (transcript-rebuilt; emitter-appended) ---
"""Pipeline reference for scband-prompt-learner-79748952752395 (READ-ONLY COPY).

The authoritative reference and input builder live on the scoring server;
editing this copy changes nothing except your own understanding.
"""

import jax, jax.numpy as jnp
import numpy as np

VOCAB = 49408
CTX_DIM = 512
SEQ = 77
N_CTX = 6
N_SHARE = 16
N_ATTR = 15
N_CLS_CTX = N_SHARE + N_ATTR  # 31
B = 1024


def setup_inputs(seed: int = 0) -> dict:
    key = jax.random.key(seed)
    k1, k2, k3, k4, k5 = jax.random.split(key, 5)
    # token embedding table (stand-in for CLIP token_embedding)
    table = jax.random.normal(k1, (VOCAB, CTX_DIM), dtype=jnp.float32) * 0.02
    # tokenized prompts for the 3 views (stand-in for tokenize(ctx_init_*)), shape [3, 1, 77]
    toks = jax.random.randint(k2, (3, 1, SEQ), 0, VOCAB)
    emb = table[toks]  # [3, 1, 77, 512] -- embedding lookup as in __init__
    token_prefix = emb[:, :, : N_CTX + 1, :]               # [3, 1, 7, 512]
    token_suffix = emb[:, :, N_CTX + 1 + N_CLS_CTX :, :]   # [3, 1, 39, 512]
    share_vectors = jax.random.normal(k3, (N_SHARE, CTX_DIM), dtype=jnp.float32) * 0.02
    attribute = jax.random.normal(k4, (B, N_ATTR, CTX_DIM), dtype=jnp.float32)
    viewids = jax.random.randint(k5, (B,), 0, 3)
    return {
        "attribute": attribute,
        "viewids": viewids,
        "token_prefix": token_prefix,
        "token_suffix": token_suffix,
        "share_vectors": share_vectors,
    }


def reference(attribute, viewids, token_prefix, token_suffix, share_vectors):
    B_ = attribute.shape[0]
    # gather per-view prefix/suffix rows, then squeeze the singleton dim (torch .squeeze())
    prefix = jnp.squeeze(token_prefix[viewids], axis=1)  # [B, 7, 512]
    suffix = jnp.squeeze(token_suffix[viewids], axis=1)  # [B, 39, 512]
    share = jnp.broadcast_to(
        share_vectors[None, :, :], (B_, share_vectors.shape[0], share_vectors.shape[1])
    )  # [B, 16, 512]
    prompts = jnp.concatenate([prefix, share, attribute, suffix], axis=1)  # [B, 77, 512]
    return prompts

if __name__ == "__main__":
    import jax
    _d = setup_inputs()
    print(jax.jit(kernel)(*tuple(_d.values())))

</pallas_src>

<mosaic_0001>
#map = affine_map<(d0, d1) -> (0, 0, 0)>
module attributes {stable_mosaic.version = 14 : i64} {
  func.func @_sc_body(%arg0: i32, %arg1: i32, %arg2: memref<15x1024x512xf32, #tpu.memory_space<hbm>>, %arg3: memref<77x1024x512xf32, #tpu.memory_space<hbm>>, %arg4: memref<32x512xf32, #tpu.memory_space<vmem>>, %arg5: memref<32x512xf32, #tpu.memory_space<vmem>>, %arg6: memref<32x512xf32, #tpu.memory_space<vmem>>, %arg7: memref<32x512xf32, #tpu.memory_space<vmem>>, %arg8: memref<!tpu.dma_semaphore, #tpu.memory_space<semaphore_mem>>, %arg9: memref<!tpu.dma_semaphore, #tpu.memory_space<semaphore_mem>>, %arg10: memref<!tpu.dma_semaphore, #tpu.memory_space<semaphore_mem>>, %arg11: memref<!tpu.dma_semaphore, #tpu.memory_space<semaphore_mem>>, %arg12: memref<!tpu.dma_semaphore, #tpu.memory_space<semaphore_mem>>, %arg13: memref<!tpu.dma_semaphore, #tpu.memory_space<semaphore_mem>>, %arg14: memref<!tpu.dma_semaphore, #tpu.memory_space<semaphore_mem>>, %arg15: memref<!tpu.dma_semaphore, #tpu.memory_space<semaphore_mem>>) attributes {dimension_semantics = [#tpu.dimension_semantics<core_parallel>, #tpu.dimension_semantics<subcore_parallel>], iteration_bounds = array<i64: 2, 16>, scalar_prefetch = 0 : i64, scratch_operands = 12 : i64, tpu.core_type = #tpu.core_type<sc_vector_subcore>, window_params = [{transform_indices = #map}, {transform_indices = #map}]} {
    %mul3A = arith.constant 2 : i32
    %mul3A_0 = arith.muli %arg1, %mul3A : i32
    %add3A = arith.addi %mul3A_0, %arg0 : i32
    %mul3A_1 = arith.constant 32 : i32
    %mul3A_2 = arith.muli %add3A, %mul3A_1 : i32
    %dma_start3A = arith.constant 0 : i32
    %dma_start3A_3 = arith.constant 0 : i32
    %dma_start3A_4 = tpu.memref_slice %arg2[%dma_start3A, %mul3A_2, %dma_start3A_3] : memref<15x1024x512xf32, #tpu.memory_space<hbm>> -> memref<1x32x512xf32, #tpu.memory_space<hbm>>
    %dma_start3A_5 = tpu.memref_squeeze %dma_start3A_4 : memref<1x32x512xf32, #tpu.memory_space<hbm>> -> memref<32x512xf32, #tpu.memory_space<hbm>>
    %dma_start3A_6 = arith.constant 0 : i32
    %dma_start3A_7 = tpu.memref_slice %arg2[%dma_start3A, %mul3A_2, %dma_start3A_6] : memref<15x1024x512xf32, #tpu.memory_space<hbm>> -> memref<1x32x512xf32, #tpu.memory_space<hbm>>
    %dma_start3A_8 = tpu.memref_squeeze %dma_start3A_7 : memref<1x32x512xf32, #tpu.memory_space<hbm>> -> memref<32x512xf32, #tpu.memory_space<hbm>>
    tpu.enqueue_dma source(%dma_start3A_8 : memref<32x512xf32, #tpu.memory_space<hbm>>) target(%arg4 : memref<32x512xf32, #tpu.memory_space<vmem>>) target_semaphore(%arg8 : memref<!tpu.dma_semaphore, #tpu.memory_space<semaphore_mem>>)
    %dma_start3A_9 = arith.constant 1 : i32
    %dma_start3A_10 = arith.constant 0 : i32
    %dma_start3A_11 = tpu.memref_slice %arg2[%dma_start3A_9, %mul3A_2, %dma_start3A_10] : memref<15x1024x512xf32, #tpu.memory_space<hbm>> -> memref<1x32x512xf32, #tpu.memory_space<hbm>>
    %dma_start3A_12 = tpu.memref_squeeze %dma_start3A_11 : memref<1x32x512xf32, #tpu.memory_space<hbm>> -> memref<32x512xf32, #tpu.memory_space<hbm>>
    %dma_start3A_13 = arith.constant 0 : i32
    %dma_start3A_14 = tpu.memref_slice %arg2[%dma_start3A_9, %mul3A_2, %dma_start3A_13] : memref<15x1024x512xf32, #tpu.memory_space<hbm>> -> memref<1x32x512xf32, #tpu.memory_space<hbm>>
    %dma_start3A_15 = tpu.memref_squeeze %dma_start3A_14 : memref<1x32x512xf32, #tpu.memory_space<hbm>> -> memref<32x512xf32, #tpu.memory_space<hbm>>
    tpu.enqueue_dma source(%dma_start3A_15 : memref<32x512xf32, #tpu.memory_space<hbm>>) target(%arg5 : memref<32x512xf32, #tpu.memory_space<vmem>>) target_semaphore(%arg9 : memref<!tpu.dma_semaphore, #tpu.memory_space<semaphore_mem>>)
    %dma_start3A_16 = arith.constant 2 : i32
    %dma_start3A_17 = arith.constant 0 : i32
    %dma_start3A_18 = tpu.memref_slice %arg2[%dma_start3A_16, %mul3A_2, %dma_start3A_17] : memref<15x1024x512xf32, #tpu.memory_space<hbm>> -> memref<1x32x512xf32, #tpu.memory_space<hbm>>
    %dma_start3A_19 = tpu.memref_squeeze %dma_start3A_18 : memref<1x32x512xf32, #tpu.memory_space<hbm>> -> memref<32x512xf32, #tpu.memory_space<hbm>>
    %dma_start3A_20 = arith.constant 0 : i32
    %dma_start3A_21 = tpu.memref_slice %arg2[%dma_start3A_16, %mul3A_2, %dma_start3A_20] : memref<15x1024x512xf32, #tpu.memory_space<hbm>> -> memref<1x32x512xf32, #tpu.memory_space<hbm>>
    %dma_start3A_22 = tpu.memref_squeeze %dma_start3A_21 : memref<1x32x512xf32, #tpu.memory_space<hbm>> -> memref<32x512xf32, #tpu.memory_space<hbm>>
    tpu.enqueue_dma source(%dma_start3A_22 : memref<32x512xf32, #tpu.memory_space<hbm>>) target(%arg6 : memref<32x512xf32, #tpu.memory_space<vmem>>) target_semaphore(%arg10 : memref<!tpu.dma_semaphore, #tpu.memory_space<semaphore_mem>>)
    %dma_start3A_23 = arith.constant 3 : i32
    %dma_start3A_24 = arith.constant 0 : i32
    %dma_start3A_25 = tpu.memref_slice %arg2[%dma_start3A_23, %mul3A_2, %dma_start3A_24] : memref<15x1024x512xf32, #tpu.memory_space<hbm>> -> memref<1x32x512xf32, #tpu.memory_space<hbm>>
    %dma_start3A_26 = tpu.memref_squeeze %dma_start3A_25 : memref<1x32x512xf32, #tpu.memory_space<hbm>> -> memref<32x512xf32, #tpu.memory_space<hbm>>
    %dma_start3A_27 = arith.constant 0 : i32
    %dma_start3A_28 = tpu.memref_slice %arg2[%dma_start3A_23, %mul3A_2, %dma_start3A_27] : memref<15x1024x512xf32, #tpu.memory_space<hbm>> -> memref<1x32x512xf32, #tpu.memory_space<hbm>>
    %dma_start3A_29 = tpu.memref_squeeze %dma_start3A_28 : memref<1x32x512xf32, #tpu.memory_space<hbm>> -> memref<32x512xf32, #tpu.memory_space<hbm>>
    tpu.enqueue_dma source(%dma_start3A_29 : memref<32x512xf32, #tpu.memory_space<hbm>>) target(%arg7 : memref<32x512xf32, #tpu.memory_space<vmem>>) target_semaphore(%arg11 : memref<!tpu.dma_semaphore, #tpu.memory_space<semaphore_mem>>)
    %dma_wait3A = arith.constant 0 : i32
    %dma_wait3A_30 = arith.constant 0 : i32
    %dma_wait3A_31 = tpu.memref_slice %arg2[%dma_wait3A, %mul3A_2, %dma_wait3A_30] : memref<15x1024x512xf32, #tpu.memory_space<hbm>> -> memref<1x32x512xf32, #tpu.memory_space<hbm>>
    %dma_wait3A_32 = tpu.memref_squeeze %dma_wait3A_31 : memref<1x32x512xf32, #tpu.memory_space<hbm>> -> memref<32x512xf32, #tpu.memory_space<hbm>>
    %dma_wait3A_33 = arith.constant 0 : i32
    %dma_wait3A_34 = tpu.memref_slice %arg2[%dma_wait3A, %mul3A_2, %dma_wait3A_33] : memref<15x1024x512xf32, #tpu.memory_space<hbm>> -> memref<1x32x512xf32, #tpu.memory_space<hbm>>
    %dma_wait3A_35 = tpu.memref_squeeze %dma_wait3A_34 : memref<1x32x512xf32, #tpu.memory_space<hbm>> -> memref<32x512xf32, #tpu.memory_space<hbm>>
    tpu.wait_dma2 semaphore(%arg8 : memref<!tpu.dma_semaphore, #tpu.memory_space<semaphore_mem>>) src(%dma_wait3A_35 : memref<32x512xf32, #tpu.memory_space<hbm>>) dst(%arg4 : memref<32x512xf32, #tpu.memory_space<vmem>>)
    %dma_start3A_36 = arith.constant 23 : i32
    %dma_start3A_37 = arith.constant 0 : i32
    %dma_start3A_38 = tpu.memref_slice %arg3[%dma_start3A_36, %mul3A_2, %dma_start3A_37] : memref<77x1024x512xf32, #tpu.memory_space<hbm>> -> memref<1x32x512xf32, #tpu.memory_space<hbm>>
    %dma_start3A_39 = tpu.memref_squeeze %dma_start3A_38 : memref<1x32x512xf32, #tpu.memory_space<hbm>> -> memref<32x512xf32, #tpu.memory_space<hbm>>
    %dma_start3A_40 = arith.constant 0 : i32
    %dma_start3A_41 = tpu.memref_slice %arg3[%dma_start3A_36, %mul3A_2, %dma_start3A_40] : memref<77x1024x512xf32, #tpu.memory_space<hbm>> -> memref<1x32x512xf32, #tpu.memory_space<hbm>>
    %dma_start3A_42 = tpu.memref_squeeze %dma_start3A_41 : memref<1x32x512xf32, #tpu.memory_space<hbm>> -> memref<32x512xf32, #tpu.memory_space<hbm>>
    tpu.enqueue_dma source(%arg4 : memref<32x512xf32, #tpu.memory_space<vmem>>) target(%dma_start3A_42 : memref<32x512xf32, #tpu.memory_space<hbm>>) target_semaphore(%arg12 : memref<!tpu.dma_semaphore, #tpu.memory_space<semaphore_mem>>)
    %dma_wait3A_43 = arith.constant 23 : i32
    %dma_wait3A_44 = arith.constant 0 : i32
    %dma_wait3A_45 = tpu.memref_slice %arg3[%dma_wait3A_43, %mul3A_2, %dma_wait3A_44] : memref<77x1024x512xf32, #tpu.memory_space<hbm>> -> memref<1x32x512xf32, #tpu.memory_space<hbm>>
    %dma_wait3A_46 = tpu.memref_squeeze %dma_wait3A_45 : memref<1x32x512xf32, #tpu.memory_space<hbm>> -> memref<32x512xf32, #tpu.memory_space<hbm>>
    %dma_wait3A_47 = arith.constant 0 : i32
    %dma_wait3A_48 = tpu.memref_slice %arg3[%dma_wait3A_43, %mul3A_2, %dma_wait3A_47] : memref<77x1024x512xf32, #tpu.memory_space<hbm>> -> memref<1x32x512xf32, #tpu.memory_space<hbm>>
    %dma_wait3A_49 = tpu.memref_squeeze %dma_wait3A_48 : memref<1x32x512xf32, #tpu.memory_space<hbm>> -> memref<32x512xf32, #tpu.memory_space<hbm>>
    tpu.wait_dma2 semaphore(%arg12 : memref<!tpu.dma_semaphore, #tpu.memory_space<semaphore_mem>>) src(%arg4 : memref<32x512xf32, #tpu.memory_space<vmem>>) dst(%dma_wait3A_49 : memref<32x512xf32, #tpu.memory_space<hbm>>)
    %dma_start3A_50 = arith.constant 4 : i32
    %dma_start3A_51 = arith.constant 0 : i32
    %dma_start3A_52 = tpu.memref_slice %arg2[%dma_start3A_50, %mul3A_2, %dma_start3A_51] : memref<15x1024x512xf32, #tpu.memory_space<hbm>> -> memref<1x32x512xf32, #tpu.memory_space<hbm>>
    %dma_start3A_53 = tpu.memref_squeeze %dma_start3A_52 : memref<1x32x512xf32, #tpu.memory_space<hbm>> -> memref<32x512xf32, #tpu.memory_space<hbm>>
    %dma_start3A_54 = arith.constant 0 : i32
    %dma_start3A_55 = tpu.memref_slice %arg2[%dma_start3A_50, %mul3A_2, %dma_start3A_54] : memref<15x1024x512xf32, #tpu.memory_space<hbm>> -> memref<1x32x512xf32, #tpu.memory_space<hbm>>
    %dma_start3A_56 = tpu.memref_squeeze %dma_start3A_55 : memref<1x32x512xf32, #tpu.memory_space<hbm>> -> memref<32x512xf32, #tpu.memory_space<hbm>>
    tpu.enqueue_dma source(%dma_start3A_56 : memref<32x512xf32, #tpu.memory_space<hbm>>) target(%arg4 : memref<32x512xf32, #tpu.memory_space<vmem>>) target_semaphore(%arg8 : memref<!tpu.dma_semaphore, #tpu.memory_space<semaphore_mem>>)
    %dma_wait3A_57 = arith.constant 1 : i32
    %dma_wait3A_58 = arith.constant 0 : i32
    %dma_wait3A_59 = tpu.memref_slice %arg2[%dma_wait3A_57, %mul3A_2, %dma_wait3A_58] : memref<15x1024x512xf32, #tpu.memory_space<hbm>> -> memref<1x32x512xf32, #tpu.memory_space<hbm>>
    %dma_wait3A_60 = tpu.memref_squeeze %dma_wait3A_59 : memref<1x32x512xf32, #tpu.memory_space<hbm>> -> memref<32x512xf32, #tpu.memory_space<hbm>>
    %dma_wait3A_61 = arith.constant 0 : i32
    %dma_wait3A_62 = tpu.memref_slice %arg2[%dma_wait3A_57, %mul3A_2, %dma_wait3A_61] : memref<15x1024x512xf32, #tpu.memory_space<hbm>> -> memref<1x32x512xf32, #tpu.memory_space<hbm>>
    %dma_wait3A_63 = tpu.memref_squeeze %dma_wait3A_62 : memref<1x32x512xf32, #tpu.memory_space<hbm>> -> memref<32x512xf32, #tpu.memory_space<hbm>>
    tpu.wait_dma2 semaphore(%arg9 : memref<!tpu.dma_semaphore, #tpu.memory_space<semaphore_mem>>) src(%dma_wait3A_63 : memref<32x512xf32, #tpu.memory_space<hbm>>) dst(%arg5 : memref<32x512xf32, #tpu.memory_space<vmem>>)
    %dma_start3A_64 = arith.constant 24 : i32
    %dma_start3A_65 = arith.constant 0 : i32
    %dma_start3A_66 = tpu.memref_slice %arg3[%dma_start3A_64, %mul3A_2, %dma_start3A_65] : memref<77x1024x512xf32, #tpu.memory_space<hbm>> -> memref<1x32x512xf32, #tpu.memory_space<hbm>>
    %dma_start3A_67 = tpu.memref_squeeze %dma_start3A_66 : memref<1x32x512xf32, #tpu.memory_space<hbm>> -> memref<32x512xf32, #tpu.memory_space<hbm>>
    %dma_start3A_68 = arith.constant 0 : i32
    %dma_start3A_69 = tpu.memref_slice %arg3[%dma_start3A_64, %mul3A_2, %dma_start3A_68] : memref<77x1024x512xf32, #tpu.memory_space<hbm>> -> memref<1x32x512xf32, #tpu.memory_space<hbm>>
    %dma_start3A_70 = tpu.memref_squeeze %dma_start3A_69 : memref<1x32x512xf32, #tpu.memory_space<hbm>> -> memref<32x512xf32, #tpu.memory_space<hbm>>
    tpu.enqueue_dma source(%arg5 : memref<32x512xf32, #tpu.memory_space<vmem>>) target(%dma_start3A_70 : memref<32x512xf32, #tpu.memory_space<hbm>>) target_semaphore(%arg13 : memref<!tpu.dma_semaphore, #tpu.memory_space<semaphore_mem>>)
    %dma_wait3A_71 = arith.constant 24 : i32
    %dma_wait3A_72 = arith.constant 0 : i32
    %dma_wait3A_73 = tpu.memref_slice %arg3[%dma_wait3A_71, %mul3A_2, %dma_wait3A_72] : memref<77x1024x512xf32, #tpu.memory_space<hbm>> -> memref<1x32x512xf32, #tpu.memory_space<hbm>>
    %dma_wait3A_74 = tpu.memref_squeeze %dma_wait3A_73 : memref<1x32x512xf32, #tpu.memory_space<hbm>> -> memref<32x512xf32, #tpu.memory_space<hbm>>
    %dma_wait3A_75 = arith.constant 0 : i32
    %dma_wait3A_76 = tpu.memref_slice %arg3[%dma_wait3A_71, %mul3A_2, %dma_wait3A_75] : memref<77x1024x512xf32, #tpu.memory_space<hbm>> -> memref<1x32x512xf32, #tpu.memory_space<hbm>>
    %dma_wait3A_77 = tpu.memref_squeeze %dma_wait3A_76 : memref<1x32x512xf32, #tpu.memory_space<hbm>> -> memref<32x512xf32, #tpu.memory_space<hbm>>
    tpu.wait_dma2 semaphore(%arg13 : memref<!tpu.dma_semaphore, #tpu.memory_space<semaphore_mem>>) src(%arg5 : memref<32x512xf32, #tpu.memory_space<vmem>>) dst(%dma_wait3A_77 : memref<32x512xf32, #tpu.memory_space<hbm>>)
    %dma_start3A_78 = arith.constant 5 : i32
    %dma_start3A_79 = arith.constant 0 : i32
    %dma_start3A_80 = tpu.memref_slice %arg2[%dma_start3A_78, %mul3A_2, %dma_start3A_79] : memref<15x1024x512xf32, #tpu.memory_space<hbm>> -> memref<1x32x512xf32, #tpu.memory_space<hbm>>
    %dma_start3A_81 = tpu.memref_squeeze %dma_start3A_80 : memref<1x32x512xf32, #tpu.memory_space<hbm>> -> memref<32x512xf32, #tpu.memory_space<hbm>>
    %dma_start3A_82 = arith.constant 0 : i32
    %dma_start3A_83 = tpu.memref_slice %arg2[%dma_start3A_78, %mul3A_2, %dma_start3A_82] : memref<15x1024x512xf32, #tpu.memory_space<hbm>> -> memref<1x32x512xf32, #tpu.memory_space<hbm>>
    %dma_start3A_84 = tpu.memref_squeeze %dma_start3A_83 : memref<1x32x512xf32, #tpu.memory_space<hbm>> -> memref<32x512xf32, #tpu.memory_space<hbm>>
    tpu.enqueue_dma source(%dma_start3A_84 : memref<32x512xf32, #tpu.memory_space<hbm>>) target(%arg5 : memref<32x512xf32, #tpu.memory_space<vmem>>) target_semaphore(%arg9 : memref<!tpu.dma_semaphore, #tpu.memory_space<semaphore_mem>>)
    %dma_wait3A_85 = arith.constant 2 : i32
    %dma_wait3A_86 = arith.constant 0 : i32
    %dma_wait3A_87 = tpu.memref_slice %arg2[%dma_wait3A_85, %mul3A_2, %dma_wait3A_86] : memref<15x1024x512xf32, #tpu.memory_space<hbm>> -> memref<1x32x512xf32, #tpu.memory_space<hbm>>
    %dma_wait3A_88 = tpu.memref_squeeze %dma_wait3A_87 : memref<1x32x512xf32, #tpu.memory_space<hbm>> -> memref<32x512xf32, #tpu.memory_space<hbm>>
    %dma_wait3A_89 = arith.constant 0 : i32
    %dma_wait3A_90 = tpu.memref_slice %arg2[%dma_wait3A_85, %mul3A_2, %dma_wait3A_89] : memref<15x1024x512xf32, #tpu.memory_space<hbm>> -> memref<1x32x512xf32, #tpu.memory_space<hbm>>
    %dma_wait3A_91 = tpu.memref_squeeze %dma_wait3A_90 : memref<1x32x512xf32, #tpu.memory_space<hbm>> -> memref<32x512xf32, #tpu.memory_space<hbm>>
    tpu.wait_dma2 semaphore(%arg10 : memref<!tpu.dma_semaphore, #tpu.memory_space<semaphore_mem>>) src(%dma_wait3A_91 : memref<32x512xf32, #tpu.memory_space<hbm>>) dst(%arg6 : memref<32x512xf32, #tpu.memory_space<vmem>>)
    %dma_start3A_92 = arith.constant 25 : i32
    %dma_start3A_93 = arith.constant 0 : i32
    %dma_start3A_94 = tpu.memref_slice %arg3[%dma_start3A_92, %mul3A_2, %dma_start3A_93] : memref<77x1024x512xf32, #tpu.memory_space<hbm>> -> memref<1x32x512xf32, #tpu.memory_space<hbm>>
    %dma_start3A_95 = tpu.memref_squeeze %dma_start3A_94 : memref<1x32x512xf32, #tpu.memory_space<hbm>> -> memref<32x512xf32, #tpu.memory_space<hbm>>
    %dma_start3A_96 = arith.constant 0 : i32
    %dma_start3A_97 = tpu.memref_slice %arg3[%dma_start3A_92, %mul3A_2, %dma_start3A_96] : memref<77x1024x512xf32, #tpu.memory_space<hbm>> -> memref<1x32x512xf32, #tpu.memory_space<hbm>>
    %dma_start3A_98 = tpu.memref_squeeze %dma_start3A_97 : memref<1x32x512xf32, #tpu.memory_space<hbm>> -> memref<32x512xf32, #tpu.memory_space<hbm>>
    tpu.enqueue_dma source(%arg6 : memref<32x512xf32, #tpu.memory_space<vmem>>) target(%dma_start3A_98 : memref<32x512xf32, #tpu.memory_space<hbm>>) target_semaphore(%arg14 : memref<!tpu.dma_semaphore, #tpu.memory_space<semaphore_mem>>)
    %dma_wait3A_99 = arith.constant 25 : i32
    %dma_wait3A_100 = arith.constant 0 : i32
    %dma_wait3A_101 = tpu.memref_slice %arg3[%dma_wait3A_99, %mul3A_2, %dma_wait3A_100] : memref<77x1024x512xf32, #tpu.memory_space<hbm>> -> memref<1x32x512xf32, #tpu.memory_space<hbm>>
    %dma_wait3A_102 = tpu.memref_squeeze %dma_wait3A_101 : memref<1x32x512xf32, #tpu.memory_space<hbm>> -> memref<32x512xf32, #tpu.memory_space<hbm>>
    %dma_wait3A_103 = arith.constant 0 : i32
    %dma_wait3A_104 = tpu.memref_slice %arg3[%dma_wait3A_99, %mul3A_2, %dma_wait3A_103] : memref<77x1024x512xf32, #tpu.memory_space<hbm>> -> memref<1x32x512xf32, #tpu.memory_space<hbm>>
    %dma_wait3A_105 = tpu.memref_squeeze %dma_wait3A_104 : memref<1x32x512xf32, #tpu.memory_space<hbm>> -> memref<32x512xf32, #tpu.memory_space<hbm>>
    tpu.wait_dma2 semaphore(%arg14 : memref<!tpu.dma_semaphore, #tpu.memory_space<semaphore_mem>>) src(%arg6 : memref<32x512xf32, #tpu.memory_space<vmem>>) dst(%dma_wait3A_105 : memref<32x512xf32, #tpu.memory_space<hbm>>)
    %dma_start3A_106 = arith.constant 6 : i32
    %dma_start3A_107 = arith.constant 0 : i32
    %dma_start3A_108 = tpu.memref_slice %arg2[%dma_start3A_106, %mul3A_2, %dma_start3A_107] : memref<15x1024x512xf32, #tpu.memory_space<hbm>> -> memref<1x32x512xf32, #tpu.memory_space<hbm>>
    %dma_start3A_109 = tpu.memref_squeeze %dma_start3A_108 : memref<1x32x512xf32, #tpu.memory_space<hbm>> -> memref<32x512xf32, #tpu.memory_space<hbm>>
    %dma_start3A_110 = arith.constant 0 : i32
    %dma_start3A_111 = tpu.memref_slice %arg2[%dma_start3A_106, %mul3A_2, %dma_start3A_110] : memref<15x1024x512xf32, #tpu.memory_space<hbm>> -> memref<1x32x512xf32, #tpu.memory_space<hbm>>
    %dma_start3A_112 = tpu.memref_squeeze %dma_start3A_111 : memref<1x32x512xf32, #tpu.memory_space<hbm>> -> memref<32x512xf32, #tpu.memory_space<hbm>>
    tpu.enqueue_dma source(%dma_start3A_112 : memref<32x512xf32, #tpu.memory_space<hbm>>) target(%arg6 : memref<32x512xf32, #tpu.memory_space<vmem>>) target_semaphore(%arg10 : memref<!tpu.dma_semaphore, #tpu.memory_space<semaphore_mem>>)
    %dma_wait3A_113 = arith.constant 3 : i32
    %dma_wait3A_114 = arith.constant 0 : i32
    %dma_wait3A_115 = tpu.memref_slice %arg2[%dma_wait3A_113, %mul3A_2, %dma_wait3A_114] : memref<15x1024x512xf32, #tpu.memory_space<hbm>> -> memref<1x32x512xf32, #tpu.memory_space<hbm>>
    %dma_wait3A_116 = tpu.memref_squeeze %dma_wait3A_115 : memref<1x32x512xf32, #tpu.memory_space<hbm>> -> memref<32x512xf32, #tpu.memory_space<hbm>>
    %dma_wait3A_117 = arith.constant 0 : i32
    %dma_wait3A_118 = tpu.memref_slice %arg2[%dma_wait3A_113, %mul3A_2, %dma_wait3A_117] : memref<15x1024x512xf32, #tpu.memory_space<hbm>> -> memref<1x32x512xf32, #tpu.memory_space<hbm>>
    %dma_wait3A_119 = tpu.memref_squeeze %dma_wait3A_118 : memref<1x32x512xf32, #tpu.memory_space<hbm>> -> memref<32x512xf32, #tpu.memory_space<hbm>>
    tpu.wait_dma2 semaphore(%arg11 : memref<!tpu.dma_semaphore, #tpu.memory_space<semaphore_mem>>) src(%dma_wait3A_119 : memref<32x512xf32, #tpu.memory_space<hbm>>) dst(%arg7 : memref<32x512xf32, #tpu.memory_space<vmem>>)
    %dma_start3A_120 = arith.constant 26 : i32
    %dma_start3A_121 = arith.constant 0 : i32
    %dma_start3A_122 = tpu.memref_slice %arg3[%dma_start3A_120, %mul3A_2, %dma_start3A_121] : memref<77x1024x512xf32, #tpu.memory_space<hbm>> -> memref<1x32x512xf32, #tpu.memory_space<hbm>>
    %dma_start3A_123 = tpu.memref_squeeze %dma_start3A_122 : memref<1x32x512xf32, #tpu.memory_space<hbm>> -> memref<32x512xf32, #tpu.memory_space<hbm>>
    %dma_start3A_124 = arith.constant 0 : i32
    %dma_start3A_125 = tpu.memref_slice %arg3[%dma_start3A_120, %mul3A_2, %dma_start3A_124] : memref<77x1024x512xf32, #tpu.memory_space<hbm>> -> memref<1x32x512xf32, #tpu.memory_space<hbm>>
    %dma_start3A_126 = tpu.memref_squeeze %dma_start3A_125 : memref<1x32x512xf32, #tpu.memory_space<hbm>> -> memref<32x512xf32, #tpu.memory_space<hbm>>
    tpu.enqueue_dma source(%arg7 : memref<32x512xf32, #tpu.memory_space<vmem>>) target(%dma_start3A_126 : memref<32x512xf32, #tpu.memory_space<hbm>>) target_semaphore(%arg15 : memref<!tpu.dma_semaphore, #tpu.memory_space<semaphore_mem>>)
    %dma_wait3A_127 = arith.constant 26 : i32
    %dma_wait3A_128 = arith.constant 0 : i32
    %dma_wait3A_129 = tpu.memref_slice %arg3[%dma_wait3A_127, %mul3A_2, %dma_wait3A_128] : memref<77x1024x512xf32, #tpu.memory_space<hbm>> -> memref<1x32x512xf32, #tpu.memory_space<hbm>>
    %dma_wait3A_130 = tpu.memref_squeeze %dma_wait3A_129 : memref<1x32x512xf32, #tpu.memory_space<hbm>> -> memref<32x512xf32, #tpu.memory_space<hbm>>
    %dma_wait3A_131 = arith.constant 0 : i32
    %dma_wait3A_132 = tpu.memref_slice %arg3[%dma_wait3A_127, %mul3A_2, %dma_wait3A_131] : memref<77x1024x512xf32, #tpu.memory_space<hbm>> -> memref<1x32x512xf32, #tpu.memory_space<hbm>>
    %dma_wait3A_133 = tpu.memref_squeeze %dma_wait3A_132 : memref<1x32x512xf32, #tpu.memory_space<hbm>> -> memref<32x512xf32, #tpu.memory_space<hbm>>
    tpu.wait_dma2 semaphore(%arg15 : memref<!tpu.dma_semaphore, #tpu.memory_space<semaphore_mem>>) src(%arg7 : memref<32x512xf32, #tpu.memory_space<vmem>>) dst(%dma_wait3A_133 : memref<32x512xf32, #tpu.memory_space<hbm>>)
    %dma_start3A_134 = arith.constant 7 : i32
    %dma_start3A_135 = arith.constant 0 : i32
    %dma_start3A_136 = tpu.memref_slice %arg2[%dma_start3A_134, %mul3A_2, %dma_start3A_135] : memref<15x1024x512xf32, #tpu.memory_space<hbm>> -> memref<1x32x512xf32, #tpu.memory_space<hbm>>
    %dma_start3A_137 = tpu.memref_squeeze %dma_start3A_136 : memref<1x32x512xf32, #tpu.memory_space<hbm>> -> memref<32x512xf32, #tpu.memory_space<hbm>>
    %dma_start3A_138 = arith.constant 0 : i32
    %dma_start3A_139 = tpu.memref_slice %arg2[%dma_start3A_134, %mul3A_2, %dma_start3A_138] : memref<15x1024x512xf32, #tpu.memory_space<hbm>> -> memref<1x32x512xf32, #tpu.memory_space<hbm>>
    %dma_start3A_140 = tpu.memref_squeeze %dma_start3A_139 : memref<1x32x512xf32, #tpu.memory_space<hbm>> -> memref<32x512xf32, #tpu.memory_space<hbm>>
    tpu.enqueue_dma source(%dma_start3A_140 : memref<32x512xf32, #tpu.memory_space<hbm>>) target(%arg7 : memref<32x512xf32, #tpu.memory_space<vmem>>) target_semaphore(%arg11 : memref<!tpu.dma_semaphore, #tpu.memory_space<semaphore_mem>>)
    %dma_wait3A_141 = arith.constant 4 : i32
    %dma_wait3A_142 = arith.constant 0 : i32
    %dma_wait3A_143 = tpu.memref_slice %arg2[%dma_wait3A_141, %mul3A_2, %dma_wait3A_142] : memref<15x1024x512xf32, #tpu.memory_space<hbm>> -> memref<1x32x512xf32, #tpu.memory_space<hbm>>
    %dma_wait3A_144 = tpu.memref_squeeze %dma_wait3A_143 : memref<1x32x512xf32, #tpu.memory_space<hbm>> -> memref<32x512xf32, #tpu.memory_space<hbm>>
    %dma_wait3A_145 = arith.constant 0 : i32
    %dma_wait3A_146 = tpu.memref_slice %arg2[%dma_wait3A_141, %mul3A_2, %dma_wait3A_145] : memref<15x1024x512xf32, #tpu.memory_space<hbm>> -> memref<1x32x512xf32, #tpu.memory_space<hbm>>
    %dma_wait3A_147 = tpu.memref_squeeze %dma_wait3A_146 : memref<1x32x512xf32, #tpu.memory_space<hbm>> -> memref<32x512xf32, #tpu.memory_space<hbm>>
    tpu.wait_dma2 semaphore(%arg8 : memref<!tpu.dma_semaphore, #tpu.memory_space<semaphore_mem>>) src(%dma_wait3A_147 : memref<32x512xf32, #tpu.memory_space<hbm>>) dst(%arg4 : memref<32x512xf32, #tpu.memory_space<vmem>>)
    %dma_start3A_148 = arith.constant 27 : i32
    %dma_start3A_149 = arith.constant 0 : i32
    %dma_start3A_150 = tpu.memref_slice %arg3[%dma_start3A_148, %mul3A_2, %dma_start3A_149] : memref<77x1024x512xf32, #tpu.memory_space<hbm>> -> memref<1x32x512xf32, #tpu.memory_space<hbm>>
    %dma_start3A_151 = tpu.memref_squeeze %dma_start3A_150 : memref<1x32x512xf32, #tpu.memory_space<hbm>> -> memref<32x512xf32, #tpu.memory_space<hbm>>
    %dma_start3A_152 = arith.constant 0 : i32
    %dma_start3A_153 = tpu.memref_slice %arg3[%dma_start3A_148, %mul3A_2, %dma_start3A_152] : memref<77x1024x512xf32, #tpu.memory_space<hbm>> -> memref<1x32x512xf32, #tpu.memory_space<hbm>>
    %dma_start3A_154 = tpu.memref_squeeze %dma_start3A_153 : memref<1x32x512xf32, #tpu.memory_space<hbm>> -> memref<32x512xf32, #tpu.memory_space<hbm>>
    tpu.enqueue_dma source(%arg4 : memref<32x512xf32, #tpu.memory_space<vmem>>) target(%dma_start3A_154 : memref<32x512xf32, #tpu.memory_space<hbm>>) target_semaphore(%arg12 : memref<!tpu.dma_semaphore, #tpu.memory_space<semaphore_mem>>)
    %dma_wait3A_155 = arith.constant 27 : i32
    %dma_wait3A_156 = arith.constant 0 : i32
    %dma_wait3A_157 = tpu.memref_slice %arg3[%dma_wait3A_155, %mul3A_2, %dma_wait3A_156] : memref<77x1024x512xf32, #tpu.memory_space<hbm>> -> memref<1x32x512xf32, #tpu.memory_space<hbm>>
    %dma_wait3A_158 = tpu.memref_squeeze %dma_wait3A_157 : memref<1x32x512xf32, #tpu.memory_space<hbm>> -> memref<32x512xf32, #tpu.memory_space<hbm>>
    %dma_wait3A_159 = arith.constant 0 : i32
    %dma_wait3A_160 = tpu.memref_slice %arg3[%dma_wait3A_155, %mul3A_2, %dma_wait3A_159] : memref<77x1024x512xf32, #tpu.memory_space<hbm>> -> memref<1x32x512xf32, #tpu.memory_space<hbm>>
    %dma_wait3A_161 = tpu.memref_squeeze %dma_wait3A_160 : memref<1x32x512xf32, #tpu.memory_space<hbm>> -> memref<32x512xf32, #tpu.memory_space<hbm>>
    tpu.wait_dma2 semaphore(%arg12 : memref<!tpu.dma_semaphore, #tpu.memory_space<semaphore_mem>>) src(%arg4 : memref<32x512xf32, #tpu.memory_space<vmem>>) dst(%dma_wait3A_161 : memref<32x512xf32, #tpu.memory_space<hbm>>)
    %dma_start3A_162 = arith.constant 8 : i32
    %dma_start3A_163 = arith.constant 0 : i32
    %dma_start3A_164 = tpu.memref_slice %arg2[%dma_start3A_162, %mul3A_2, %dma_start3A_163] : memref<15x1024x512xf32, #tpu.memory_space<hbm>> -> memref<1x32x512xf32, #tpu.memory_space<hbm>>
    %dma_start3A_165 = tpu.memref_squeeze %dma_start3A_164 : memref<1x32x512xf32, #tpu.memory_space<hbm>> -> memref<32x512xf32, #tpu.memory_space<hbm>>
    %dma_start3A_166 = arith.constant 0 : i32
    %dma_start3A_167 = tpu.memref_slice %arg2[%dma_start3A_162, %mul3A_2, %dma_start3A_166] : memref<15x1024x512xf32, #tpu.memory_space<hbm>> -> memref<1x32x512xf32, #tpu.memory_space<hbm>>
    %dma_start3A_168 = tpu.memref_squeeze %dma_start3A_167 : memref<1x32x512xf32, #tpu.memory_space<hbm>> -> memref<32x512xf32, #tpu.memory_space<hbm>>
    tpu.enqueue_dma source(%dma_start3A_168 : memref<32x512xf32, #tpu.memory_space<hbm>>) target(%arg4 : memref<32x512xf32, #tpu.memory_space<vmem>>) target_semaphore(%arg8 : memref<!tpu.dma_semaphore, #tpu.memory_space<semaphore_mem>>)
    %dma_wait3A_169 = arith.constant 5 : i32
    %dma_wait3A_170 = arith.constant 0 : i32
    %dma_wait3A_171 = tpu.memref_slice %arg2[%dma_wait3A_169, %mul3A_2, %dma_wait3A_170] : memref<15x1024x512xf32, #tpu.memory_space<hbm>> -> memref<1x32x512xf32, #tpu.memory_space<hbm>>
    %dma_wait3A_172 = tpu.memref_squeeze %dma_wait3A_171 : memref<1x32x512xf32, #tpu.memory_space<hbm>> -> memref<32x512xf32, #tpu.memory_space<hbm>>
    %dma_wait3A_173 = arith.constant 0 : i32
    %dma_wait3A_174 = tpu.memref_slice %arg2[%dma_wait3A_169, %mul3A_2, %dma_wait3A_173] : memref<15x1024x512xf32, #tpu.memory_space<hbm>> -> memref<1x32x512xf32, #tpu.memory_space<hbm>>
    %dma_wait3A_175 = tpu.memref_squeeze %dma_wait3A_174 : memref<1x32x512xf32, #tpu.memory_space<hbm>> -> memref<32x512xf32, #tpu.memory_space<hbm>>
    tpu.wait_dma2 semaphore(%arg9 : memref<!tpu.dma_semaphore, #tpu.memory_space<semaphore_mem>>) src(%dma_wait3A_175 : memref<32x512xf32, #tpu.memory_space<hbm>>) dst(%arg5 : memref<32x512xf32, #tpu.memory_space<vmem>>)
    %dma_start3A_176 = arith.constant 28 : i32
    %dma_start3A_177 = arith.constant 0 : i32
    %dma_start3A_178 = tpu.memref_slice %arg3[%dma_start3A_176, %mul3A_2, %dma_start3A_177] : memref<77x1024x512xf32, #tpu.memory_space<hbm>> -> memref<1x32x512xf32, #tpu.memory_space<hbm>>
    %dma_start3A_179 = tpu.memref_squeeze %dma_start3A_178 : memref<1x32x512xf32, #tpu.memory_space<hbm>> -> memref<32x512xf32, #tpu.memory_space<hbm>>
    %dma_start3A_180 = arith.constant 0 : i32
    %dma_start3A_181 = tpu.memref_slice %arg3[%dma_start3A_176, %mul3A_2, %dma_start3A_180] : memref<77x1024x512xf32, #tpu.memory_space<hbm>> -> memref<1x32x512xf32, #tpu.memory_space<hbm>>
    %dma_start3A_182 = tpu.memref_squeeze %dma_start3A_181 : memref<1x32x512xf32, #tpu.memory_space<hbm>> -> memref<32x512xf32, #tpu.memory_space<hbm>>
    tpu.enqueue_dma source(%arg5 : memref<32x512xf32, #tpu.memory_space<vmem>>) target(%dma_start3A_182 : memref<32x512xf32, #tpu.memory_space<hbm>>) target_semaphore(%arg13 : memref<!tpu.dma_semaphore, #tpu.memory_space<semaphore_mem>>)
    %dma_wait3A_183 = arith.constant 28 : i32
    %dma_wait3A_184 = arith.constant 0 : i32
    %dma_wait3A_185 = tpu.memref_slice %arg3[%dma_wait3A_183, %mul3A_2, %dma_wait3A_184] : memref<77x1024x512xf32, #tpu.memory_space<hbm>> -> memref<1x32x512xf32, #tpu.memory_space<hbm>>
    %dma_wait3A_186 = tpu.memref_squeeze %dma_wait3A_185 : memref<1x32x512xf32, #tpu.memory_space<hbm>> -> memref<32x512xf32, #tpu.memory_space<hbm>>
    %dma_wait3A_187 = arith.constant 0 : i32
    %dma_wait3A_188 = tpu.memref_slice %arg3[%dma_wait3A_183, %mul3A_2, %dma_wait3A_187] : memref<77x1024x512xf32, #tpu.memory_space<hbm>> -> memref<1x32x512xf32, #tpu.memory_space<hbm>>
    %dma_wait3A_189 = tpu.memref_squeeze %dma_wait3A_188 : memref<1x32x512xf32, #tpu.memory_space<hbm>> -> memref<32x512xf32, #tpu.memory_space<hbm>>
    tpu.wait_dma2 semaphore(%arg13 : memref<!tpu.dma_semaphore, #tpu.memory_space<semaphore_mem>>) src(%arg5 : memref<32x512xf32, #tpu.memory_space<vmem>>) dst(%dma_wait3A_189 : memref<32x512xf32, #tpu.memory_space<hbm>>)
    %dma_start3A_190 = arith.constant 9 : i32
    %dma_start3A_191 = arith.constant 0 : i32
    %dma_start3A_192 = tpu.memref_slice %arg2[%dma_start3A_190, %mul3A_2, %dma_start3A_191] : memref<15x1024x512xf32, #tpu.memory_space<hbm>> -> memref<1x32x512xf32, #tpu.memory_space<hbm>>
    %dma_start3A_193 = tpu.memref_squeeze %dma_start3A_192 : memref<1x32x512xf32, #tpu.memory_space<hbm>> -> memref<32x512xf32, #tpu.memory_space<hbm>>
    %dma_start3A_194 = arith.constant 0 : i32
    %dma_start3A_195 = tpu.memref_slice %arg2[%dma_start3A_190, %mul3A_2, %dma_start3A_194] : memref<15x1024x512xf32, #tpu.memory_space<hbm>> -> memref<1x32x512xf32, #tpu.memory_space<hbm>>
    %dma_start3A_196 = tpu.memref_squeeze %dma_start3A_195 : memref<1x32x512xf32, #tpu.memory_space<hbm>> -> memref<32x512xf32, #tpu.memory_space<hbm>>
    tpu.enqueue_dma source(%dma_start3A_196 : memref<32x512xf32, #tpu.memory_space<hbm>>) target(%arg5 : memref<32x512xf32, #tpu.memory_space<vmem>>) target_semaphore(%arg9 : memref<!tpu.dma_semaphore, #tpu.memory_space<semaphore_mem>>)
    %dma_wait3A_197 = arith.constant 6 : i32
    %dma_wait3A_198 = arith.constant 0 : i32
    %dma_wait3A_199 = tpu.memref_slice %arg2[%dma_wait3A_197, %mul3A_2, %dma_wait3A_198] : memref<15x1024x512xf32, #tpu.memory_space<hbm>> -> memref<1x32x512xf32, #tpu.memory_space<hbm>>
    %dma_wait3A_200 = tpu.memref_squeeze %dma_wait3A_199 : memref<1x32x512xf32, #tpu.memory_space<hbm>> -> memref<32x512xf32, #tpu.memory_space<hbm>>
    %dma_wait3A_201 = arith.constant 0 : i32
    %dma_wait3A_202 = tpu.memref_slice %arg2[%dma_wait3A_197, %mul3A_2, %dma_wait3A_201] : memref<15x1024x512xf32, #tpu.memory_space<hbm>> -> memref<1x32x512xf32, #tpu.memory_space<hbm>>
    %dma_wait3A_203 = tpu.memref_squeeze %dma_wait3A_202 : memref<1x32x512xf32, #tpu.memory_space<hbm>> -> memref<32x512xf32, #tpu.memory_space<hbm>>
    tpu.wait_dma2 semaphore(%arg10 : memref<!tpu.dma_semaphore, #tpu.memory_space<semaphore_mem>>) src(%dma_wait3A_203 : memref<32x512xf32, #tpu.memory_space<hbm>>) dst(%arg6 : memref<32x512xf32, #tpu.memory_space<vmem>>)
    %dma_start3A_204 = arith.constant 29 : i32
    %dma_start3A_205 = arith.constant 0 : i32
    %dma_start3A_206 = tpu.memref_slice %arg3[%dma_start3A_204, %mul3A_2, %dma_start3A_205] : memref<77x1024x512xf32, #tpu.memory_space<hbm>> -> memref<1x32x512xf32, #tpu.memory_space<hbm>>
    %dma_start3A_207 = tpu.memref_squeeze %dma_start3A_206 : memref<1x32x512xf32, #tpu.memory_space<hbm>> -> memref<32x512xf32, #tpu.memory_space<hbm>>
    %dma_start3A_208 = arith.constant 0 : i32
    %dma_start3A_209 = tpu.memref_slice %arg3[%dma_start3A_204, %mul3A_2, %dma_start3A_208] : memref<77x1024x512xf32, #tpu.memory_space<hbm>> -> memref<1x32x512xf32, #tpu.memory_space<hbm>>
    %dma_start3A_210 = tpu.memref_squeeze %dma_start3A_209 : memref<1x32x512xf32, #tpu.memory_space<hbm>> -> memref<32x512xf32, #tpu.memory_space<hbm>>
    tpu.enqueue_dma source(%arg6 : memref<32x512xf32, #tpu.memory_space<vmem>>) target(%dma_start3A_210 : memref<32x512xf32, #tpu.memory_space<hbm>>) target_semaphore(%arg14 : memref<!tpu.dma_semaphore, #tpu.memory_space<semaphore_mem>>)
    %dma_wait3A_211 = arith.constant 29 : i32
    %dma_wait3A_212 = arith.constant 0 : i32
    %dma_wait3A_213 = tpu.memref_slice %arg3[%dma_wait3A_211, %mul3A_2, %dma_wait3A_212] : memref<77x1024x512xf32, #tpu.memory_space<hbm>> -> memref<1x32x512xf32, #tpu.memory_space<hbm>>
    %dma_wait3A_214 = tpu.memref_squeeze %dma_wait3A_213 : memref<1x32x512xf32, #tpu.memory_space<hbm>> -> memref<32x512xf32, #tpu.memory_space<hbm>>
    %dma_wait3A_215 = arith.constant 0 : i32
    %dma_wait3A_216 = tpu.memref_slice %arg3[%dma_wait3A_211, %mul3A_2, %dma_wait3A_215] : memref<77x1024x512xf32, #tpu.memory_space<hbm>> -> memref<1x32x512xf32, #tpu.memory_space<hbm>>
    %dma_wait3A_217 = tpu.memref_squeeze %dma_wait3A_216 : memref<1x32x512xf32, #tpu.memory_space<hbm>> -> memref<32x512xf32, #tpu.memory_space<hbm>>
    tpu.wait_dma2 semaphore(%arg14 : memref<!tpu.dma_semaphore, #tpu.memory_space<semaphore_mem>>) src(%arg6 : memref<32x512xf32, #tpu.memory_space<vmem>>) dst(%dma_wait3A_217 : memref<32x512xf32, #tpu.memory_space<hbm>>)
    %dma_start3A_218 = arith.constant 10 : i32
    %dma_start3A_219 = arith.constant 0 : i32
    %dma_start3A_220 = tpu.memref_slice %arg2[%dma_start3A_218, %mul3A_2, %dma_start3A_219] : memref<15x1024x512xf32, #tpu.memory_space<hbm>> -> memref<1x32x512xf32, #tpu.memory_space<hbm>>
    %dma_start3A_221 = tpu.memref_squeeze %dma_start3A_220 : memref<1x32x512xf32, #tpu.memory_space<hbm>> -> memref<32x512xf32, #tpu.memory_space<hbm>>
    %dma_start3A_222 = arith.constant 0 : i32
    %dma_start3A_223 = tpu.memref_slice %arg2[%dma_start3A_218, %mul3A_2, %dma_start3A_222] : memref<15x1024x512xf32, #tpu.memory_space<hbm>> -> memref<1x32x512xf32, #tpu.memory_space<hbm>>
    %dma_start3A_224 = tpu.memref_squeeze %dma_start3A_223 : memref<1x32x512xf32, #tpu.memory_space<hbm>> -> memref<32x512xf32, #tpu.memory_space<hbm>>
    tpu.enqueue_dma source(%dma_start3A_224 : memref<32x512xf32, #tpu.memory_space<hbm>>) target(%arg6 : memref<32x512xf32, #tpu.memory_space<vmem>>) target_semaphore(%arg10 : memref<!tpu.dma_semaphore, #tpu.memory_space<semaphore_mem>>)
    %dma_wait3A_225 = arith.constant 7 : i32
    %dma_wait3A_226 = arith.constant 0 : i32
    %dma_wait3A_227 = tpu.memref_slice %arg2[%dma_wait3A_225, %mul3A_2, %dma_wait3A_226] : memref<15x1024x512xf32, #tpu.memory_space<hbm>> -> memref<1x32x512xf32, #tpu.memory_space<hbm>>
    %dma_wait3A_228 = tpu.memref_squeeze %dma_wait3A_227 : memref<1x32x512xf32, #tpu.memory_space<hbm>> -> memref<32x512xf32, #tpu.memory_space<hbm>>
    %dma_wait3A_229 = arith.constant 0 : i32
    %dma_wait3A_230 = tpu.memref_slice %arg2[%dma_wait3A_225, %mul3A_2, %dma_wait3A_229] : memref<15x1024x512xf32, #tpu.memory_space<hbm>> -> memref<1x32x512xf32, #tpu.memory_space<hbm>>
    %dma_wait3A_231 = tpu.memref_squeeze %dma_wait3A_230 : memref<1x32x512xf32, #tpu.memory_space<hbm>> -> memref<32x512xf32, #tpu.memory_space<hbm>>
    tpu.wait_dma2 semaphore(%arg11 : memref<!tpu.dma_semaphore, #tpu.memory_space<semaphore_mem>>) src(%dma_wait3A_231 : memref<32x512xf32, #tpu.memory_space<hbm>>) dst(%arg7 : memref<32x512xf32, #tpu.memory_space<vmem>>)
    %dma_start3A_232 = arith.constant 30 : i32
    %dma_start3A_233 = arith.constant 0 : i32
    %dma_start3A_234 = tpu.memref_slice %arg3[%dma_start3A_232, %mul3A_2, %dma_start3A_233] : memref<77x1024x512xf32, #tpu.memory_space<hbm>> -> memref<1x32x512xf32, #tpu.memory_space<hbm>>
    %dma_start3A_235 = tpu.memref_squeeze %dma_start3A_234 : memref<1x32x512xf32, #tpu.memory_space<hbm>> -> memref<32x512xf32, #tpu.memory_space<hbm>>
    %dma_start3A_236 = arith.constant 0 : i32
    %dma_start3A_237 = tpu.memref_slice %arg3[%dma_start3A_232, %mul3A_2, %dma_start3A_236] : memref<77x1024x512xf32, #tpu.memory_space<hbm>> -> memref<1x32x512xf32, #tpu.memory_space<hbm>>
    %dma_start3A_238 = tpu.memref_squeeze %dma_start3A_237 : memref<1x32x512xf32, #tpu.memory_space<hbm>> -> memref<32x512xf32, #tpu.memory_space<hbm>>
    tpu.enqueue_dma source(%arg7 : memref<32x512xf32, #tpu.memory_space<vmem>>) target(%dma_start3A_238 : memref<32x512xf32, #tpu.memory_space<hbm>>) target_semaphore(%arg15 : memref<!tpu.dma_semaphore, #tpu.memory_space<semaphore_mem>>)
    %dma_wait3A_239 = arith.constant 30 : i32
    %dma_wait3A_240 = arith.constant 0 : i32
    %dma_wait3A_241 = tpu.memref_slice %arg3[%dma_wait3A_239, %mul3A_2, %dma_wait3A_240] : memref<77x1024x512xf32, #tpu.memory_space<hbm>> -> memref<1x32x512xf32, #tpu.memory_space<hbm>>
    %dma_wait3A_242 = tpu.memref_squeeze %dma_wait3A_241 : memref<1x32x512xf32, #tpu.memory_space<hbm>> -> memref<32x512xf32, #tpu.memory_space<hbm>>
    %dma_wait3A_243 = arith.constant 0 : i32
    %dma_wait3A_244 = tpu.memref_slice %arg3[%dma_wait3A_239, %mul3A_2, %dma_wait3A_243] : memref<77x1024x512xf32, #tpu.memory_space<hbm>> -> memref<1x32x512xf32, #tpu.memory_space<hbm>>
    %dma_wait3A_245 = tpu.memref_squeeze %dma_wait3A_244 : memref<1x32x512xf32, #tpu.memory_space<hbm>> -> memref<32x512xf32, #tpu.memory_space<hbm>>
    tpu.wait_dma2 semaphore(%arg15 : memref<!tpu.dma_semaphore, #tpu.memory_space<semaphore_mem>>) src(%arg7 : memref<32x512xf32, #tpu.memory_space<vmem>>) dst(%dma_wait3A_245 : memref<32x512xf32, #tpu.memory_space<hbm>>)
    %dma_start3A_246 = arith.constant 11 : i32
    %dma_start3A_247 = arith.constant 0 : i32
    %dma_start3A_248 = tpu.memref_slice %arg2[%dma_start3A_246, %mul3A_2, %dma_start3A_247] : memref<15x1024x512xf32, #tpu.memory_space<hbm>> -> memref<1x32x512xf32, #tpu.memory_space<hbm>>
    %dma_start3A_249 = tpu.memref_squeeze %dma_start3A_248 : memref<1x32x512xf32, #tpu.memory_space<hbm>> -> memref<32x512xf32, #tpu.memory_space<hbm>>
    %dma_start3A_250 = arith.constant 0 : i32
    %dma_start3A_251 = tpu.memref_slice %arg2[%dma_start3A_246, %mul3A_2, %dma_start3A_250] : memref<15x1024x512xf32, #tpu.memory_space<hbm>> -> memref<1x32x512xf32, #tpu.memory_space<hbm>>
    %dma_start3A_252 = tpu.memref_squeeze %dma_start3A_251 : memref<1x32x512xf32, #tpu.memory_space<hbm>> -> memref<32x512xf32, #tpu.memory_space<hbm>>
    tpu.enqueue_dma source(%dma_start3A_252 : memref<32x512xf32, #tpu.memory_space<hbm>>) target(%arg7 : memref<32x512xf32, #tpu.memory_space<vmem>>) target_semaphore(%arg11 : memref<!tpu.dma_semaphore, #tpu.memory_space<semaphore_mem>>)
    %dma_wait3A_253 = arith.constant 8 : i32
    %dma_wait3A_254 = arith.constant 0 : i32
    %dma_wait3A_255 = tpu.memref_slice %arg2[%dma_wait3A_253, %mul3A_2, %dma_wait3A_254] : memref<15x1024x512xf32, #tpu.memory_space<hbm>> -> memref<1x32x512xf32, #tpu.memory_space<hbm>>
    %dma_wait3A_256 = tpu.memref_squeeze %dma_wait3A_255 : memref<1x32x512xf32, #tpu.memory_space<hbm>> -> memref<32x512xf32, #tpu.memory_space<hbm>>
    %dma_wait3A_257 = arith.constant 0 : i32
    %dma_wait3A_258 = tpu.memref_slice %arg2[%dma_wait3A_253, %mul3A_2, %dma_wait3A_257] : memref<15x1024x512xf32, #tpu.memory_space<hbm>> -> memref<1x32x512xf32, #tpu.memory_space<hbm>>
    %dma_wait3A_259 = tpu.memref_squeeze %dma_wait3A_258 : memref<1x32x512xf32, #tpu.memory_space<hbm>> -> memref<32x512xf32, #tpu.memory_space<hbm>>
    tpu.wait_dma2 semaphore(%arg8 : memref<!tpu.dma_semaphore, #tpu.memory_space<semaphore_mem>>) src(%dma_wait3A_259 : memref<32x512xf32, #tpu.memory_space<hbm>>) dst(%arg4 : memref<32x512xf32, #tpu.memory_space<vmem>>)
    %dma_start3A_260 = arith.constant 31 : i32
    %dma_start3A_261 = arith.constant 0 : i32
    %dma_start3A_262 = tpu.memref_slice %arg3[%dma_start3A_260, %mul3A_2, %dma_start3A_261] : memref<77x1024x512xf32, #tpu.memory_space<hbm>> -> memref<1x32x512xf32, #tpu.memory_space<hbm>>
    %dma_start3A_263 = tpu.memref_squeeze %dma_start3A_262 : memref<1x32x512xf32, #tpu.memory_space<hbm>> -> memref<32x512xf32, #tpu.memory_space<hbm>>
    %dma_start3A_264 = arith.constant 0 : i32
    %dma_start3A_265 = tpu.memref_slice %arg3[%dma_start3A_260, %mul3A_2, %dma_start3A_264] : memref<77x1024x512xf32, #tpu.memory_space<hbm>> -> memref<1x32x512xf32, #tpu.memory_space<hbm>>
    %dma_start3A_266 = tpu.memref_squeeze %dma_start3A_265 : memref<1x32x512xf32, #tpu.memory_space<hbm>> -> memref<32x512xf32, #tpu.memory_space<hbm>>
    tpu.enqueue_dma source(%arg4 : memref<32x512xf32, #tpu.memory_space<vmem>>) target(%dma_start3A_266 : memref<32x512xf32, #tpu.memory_space<hbm>>) target_semaphore(%arg12 : memref<!tpu.dma_semaphore, #tpu.memory_space<semaphore_mem>>)
    %dma_wait3A_267 = arith.constant 31 : i32
    %dma_wait3A_268 = arith.constant 0 : i32
    %dma_wait3A_269 = tpu.memref_slice %arg3[%dma_wait3A_267, %mul3A_2, %dma_wait3A_268] : memref<77x1024x512xf32, #tpu.memory_space<hbm>> -> memref<1x32x512xf32, #tpu.memory_space<hbm>>
    %dma_wait3A_270 = tpu.memref_squeeze %dma_wait3A_269 : memref<1x32x512xf32, #tpu.memory_space<hbm>> -> memref<32x512xf32, #tpu.memory_space<hbm>>
    %dma_wait3A_271 = arith.constant 0 : i32
    %dma_wait3A_272 = tpu.memref_slice %arg3[%dma_wait3A_267, %mul3A_2, %dma_wait3A_271] : memref<77x1024x512xf32, #tpu.memory_space<hbm>> -> memref<1x32x512xf32, #tpu.memory_space<hbm>>
    %dma_wait3A_273 = tpu.memref_squeeze %dma_wait3A_272 : memref<1x32x512xf32, #tpu.memory_space<hbm>> -> memref<32x512xf32, #tpu.memory_space<hbm>>
    tpu.wait_dma2 semaphore(%arg12 : memref<!tpu.dma_semaphore, #tpu.memory_space<semaphore_mem>>) src(%arg4 : memref<32x512xf32, #tpu.memory_space<vmem>>) dst(%dma_wait3A_273 : memref<32x512xf32, #tpu.memory_space<hbm>>)
    %dma_start3A_274 = arith.constant 12 : i32
    %dma_start3A_275 = arith.constant 0 : i32
    %dma_start3A_276 = tpu.memref_slice %arg2[%dma_start3A_274, %mul3A_2, %dma_start3A_275] : memref<15x1024x512xf32, #tpu.memory_space<hbm>> -> memref<1x32x512xf32, #tpu.memory_space<hbm>>
    %dma_start3A_277 = tpu.memref_squeeze %dma_start3A_276 : memref<1x32x512xf32, #tpu.memory_space<hbm>> -> memref<32x512xf32, #tpu.memory_space<hbm>>
    %dma_start3A_278 = arith.constant 0 : i32
    %dma_start3A_279 = tpu.memref_slice %arg2[%dma_start3A_274, %mul3A_2, %dma_start3A_278] : memref<15x1024x512xf32, #tpu.memory_space<hbm>> -> memref<1x32x512xf32, #tpu.memory_space<hbm>>
    %dma_start3A_280 = tpu.memref_squeeze %dma_start3A_279 : memref<1x32x512xf32, #tpu.memory_space<hbm>> -> memref<32x512xf32, #tpu.memory_space<hbm>>
    tpu.enqueue_dma source(%dma_start3A_280 : memref<32x512xf32, #tpu.memory_space<hbm>>) target(%arg4 : memref<32x512xf32, #tpu.memory_space<vmem>>) target_semaphore(%arg8 : memref<!tpu.dma_semaphore, #tpu.memory_space<semaphore_mem>>)
    %dma_wait3A_281 = arith.constant 9 : i32
    %dma_wait3A_282 = arith.constant 0 : i32
    %dma_wait3A_283 = tpu.memref_slice %arg2[%dma_wait3A_281, %mul3A_2, %dma_wait3A_282] : memref<15x1024x512xf32, #tpu.memory_space<hbm>> -> memref<1x32x512xf32, #tpu.memory_space<hbm>>
    %dma_wait3A_284 = tpu.memref_squeeze %dma_wait3A_283 : memref<1x32x512xf32, #tpu.memory_space<hbm>> -> memref<32x512xf32, #tpu.memory_space<hbm>>
    %dma_wait3A_285 = arith.constant 0 : i32
    %dma_wait3A_286 = tpu.memref_slice %arg2[%dma_wait3A_281, %mul3A_2, %dma_wait3A_285] : memref<15x1024x512xf32, #tpu.memory_space<hbm>> -> memref<1x32x512xf32, #tpu.memory_space<hbm>>
    %dma_wait3A_287 = tpu.memref_squeeze %dma_wait3A_286 : memref<1x32x512xf32, #tpu.memory_space<hbm>> -> memref<32x512xf32, #tpu.memory_space<hbm>>
    tpu.wait_dma2 semaphore(%arg9 : memref<!tpu.dma_semaphore, #tpu.memory_space<semaphore_mem>>) src(%dma_wait3A_287 : memref<32x512xf32, #tpu.memory_space<hbm>>) dst(%arg5 : memref<32x512xf32, #tpu.memory_space<vmem>>)
    %dma_start3A_288 = arith.constant 32 : i32
    %dma_start3A_289 = arith.constant 0 : i32
    %dma_start3A_290 = tpu.memref_slice %arg3[%dma_start3A_288, %mul3A_2, %dma_start3A_289] : memref<77x1024x512xf32, #tpu.memory_space<hbm>> -> memref<1x32x512xf32, #tpu.memory_space<hbm>>
    %dma_start3A_291 = tpu.memref_squeeze %dma_start3A_290 : memref<1x32x512xf32, #tpu.memory_space<hbm>> -> memref<32x512xf32, #tpu.memory_space<hbm>>
    %dma_start3A_292 = arith.constant 0 : i32
    %dma_start3A_293 = tpu.memref_slice %arg3[%dma_start3A_288, %mul3A_2, %dma_start3A_292] : memref<77x1024x512xf32, #tpu.memory_space<hbm>> -> memref<1x32x512xf32, #tpu.memory_space<hbm>>
    %dma_start3A_294 = tpu.memref_squeeze %dma_start3A_293 : memref<1x32x512xf32, #tpu.memory_space<hbm>> -> memref<32x512xf32, #tpu.memory_space<hbm>>
    tpu.enqueue_dma source(%arg5 : memref<32x512xf32, #tpu.memory_space<vmem>>) target(%dma_start3A_294 : memref<32x512xf32, #tpu.memory_space<hbm>>) target_semaphore(%arg13 : memref<!tpu.dma_semaphore, #tpu.memory_space<semaphore_mem>>)
    %dma_wait3A_295 = arith.constant 32 : i32
    %dma_wait3A_296 = arith.constant 0 : i32
    %dma_wait3A_297 = tpu.memref_slice %arg3[%dma_wait3A_295, %mul3A_2, %dma_wait3A_296] : memref<77x1024x512xf32, #tpu.memory_space<hbm>> -> memref<1x32x512xf32, #tpu.memory_space<hbm>>
    %dma_wait3A_298 = tpu.memref_squeeze %dma_wait3A_297 : memref<1x32x512xf32, #tpu.memory_space<hbm>> -> memref<32x512xf32, #tpu.memory_space<hbm>>
    %dma_wait3A_299 = arith.constant 0 : i32
    %dma_wait3A_300 = tpu.memref_slice %arg3[%dma_wait3A_295, %mul3A_2, %dma_wait3A_299] : memref<77x1024x512xf32, #tpu.memory_space<hbm>> -> memref<1x32x512xf32, #tpu.memory_space<hbm>>
    %dma_wait3A_301 = tpu.memref_squeeze %dma_wait3A_300 : memref<1x32x512xf32, #tpu.memory_space<hbm>> -> memref<32x512xf32, #tpu.memory_space<hbm>>
    tpu.wait_dma2 semaphore(%arg13 : memref<!tpu.dma_semaphore, #tpu.memory_space<semaphore_mem>>) src(%arg5 : memref<32x512xf32, #tpu.memory_space<vmem>>) dst(%dma_wait3A_301 : memref<32x512xf32, #tpu.memory_space<hbm>>)
    %dma_start3A_302 = arith.constant 13 : i32
    %dma_start3A_303 = arith.constant 0 : i32
    %dma_start3A_304 = tpu.memref_slice %arg2[%dma_start3A_302, %mul3A_2, %dma_start3A_303] : memref<15x1024x512xf32, #tpu.memory_space<hbm>> -> memref<1x32x512xf32, #tpu.memory_space<hbm>>
    %dma_start3A_305 = tpu.memref_squeeze %dma_start3A_304 : memref<1x32x512xf32, #tpu.memory_space<hbm>> -> memref<32x512xf32, #tpu.memory_space<hbm>>
    %dma_start3A_306 = arith.constant 0 : i32
    %dma_start3A_307 = tpu.memref_slice %arg2[%dma_start3A_302, %mul3A_2, %dma_start3A_306] : memref<15x1024x512xf32, #tpu.memory_space<hbm>> -> memref<1x32x512xf32, #tpu.memory_space<hbm>>
    %dma_start3A_308 = tpu.memref_squeeze %dma_start3A_307 : memref<1x32x512xf32, #tpu.memory_space<hbm>> -> memref<32x512xf32, #tpu.memory_space<hbm>>
    tpu.enqueue_dma source(%dma_start3A_308 : memref<32x512xf32, #tpu.memory_space<hbm>>) target(%arg5 : memref<32x512xf32, #tpu.memory_space<vmem>>) target_semaphore(%arg9 : memref<!tpu.dma_semaphore, #tpu.memory_space<semaphore_mem>>)
    %dma_wait3A_309 = arith.constant 10 : i32
    %dma_wait3A_310 = arith.constant 0 : i32
    %dma_wait3A_311 = tpu.memref_slice %arg2[%dma_wait3A_309, %mul3A_2, %dma_wait3A_310] : memref<15x1024x512xf32, #tpu.memory_space<hbm>> -> memref<1x32x512xf32, #tpu.memory_space<hbm>>
    %dma_wait3A_312 = tpu.memref_squeeze %dma_wait3A_311 : memref<1x32x512xf32, #tpu.memory_space<hbm>> -> memref<32x512xf32, #tpu.memory_space<hbm>>
    %dma_wait3A_313 = arith.constant 0 : i32
    %dma_wait3A_314 = tpu.memref_slice %arg2[%dma_wait3A_309, %mul3A_2, %dma_wait3A_313] : memref<15x1024x512xf32, #tpu.memory_space<hbm>> -> memref<1x32x512xf32, #tpu.memory_space<hbm>>
    %dma_wait3A_315 = tpu.memref_squeeze %dma_wait3A_314 : memref<1x32x512xf32, #tpu.memory_space<hbm>> -> memref<32x512xf32, #tpu.memory_space<hbm>>
    tpu.wait_dma2 semaphore(%arg10 : memref<!tpu.dma_semaphore, #tpu.memory_space<semaphore_mem>>) src(%dma_wait3A_315 : memref<32x512xf32, #tpu.memory_space<hbm>>) dst(%arg6 : memref<32x512xf32, #tpu.memory_space<vmem>>)
    %dma_start3A_316 = arith.constant 33 : i32
    %dma_start3A_317 = arith.constant 0 : i32
    %dma_start3A_318 = tpu.memref_slice %arg3[%dma_start3A_316, %mul3A_2, %dma_start3A_317] : memref<77x1024x512xf32, #tpu.memory_space<hbm>> -> memref<1x32x512xf32, #tpu.memory_space<hbm>>
    %dma_start3A_319 = tpu.memref_squeeze %dma_start3A_318 : memref<1x32x512xf32, #tpu.memory_space<hbm>> -> memref<32x512xf32, #tpu.memory_space<hbm>>
    %dma_start3A_320 = arith.constant 0 : i32
    %dma_start3A_321 = tpu.memref_slice %arg3[%dma_start3A_316, %mul3A_2, %dma_start3A_320] : memref<77x1024x512xf32, #tpu.memory_space<hbm>> -> memref<1x32x512xf32, #tpu.memory_space<hbm>>
    %dma_start3A_322 = tpu.memref_squeeze %dma_start3A_321 : memref<1x32x512xf32, #tpu.memory_space<hbm>> -> memref<32x512xf32, #tpu.memory_space<hbm>>
    tpu.enqueue_dma source(%arg6 : memref<32x512xf32, #tpu.memory_space<vmem>>) target(%dma_start3A_322 : memref<32x512xf32, #tpu.memory_space<hbm>>) target_semaphore(%arg14 : memref<!tpu.dma_semaphore, #tpu.memory_space<semaphore_mem>>)
    %dma_wait3A_323 = arith.constant 33 : i32
    %dma_wait3A_324 = arith.constant 0 : i32
    %dma_wait3A_325 = tpu.memref_slice %arg3[%dma_wait3A_323, %mul3A_2, %dma_wait3A_324] : memref<77x1024x512xf32, #tpu.memory_space<hbm>> -> memref<1x32x512xf32, #tpu.memory_space<hbm>>
    %dma_wait3A_326 = tpu.memref_squeeze %dma_wait3A_325 : memref<1x32x512xf32, #tpu.memory_space<hbm>> -> memref<32x512xf32, #tpu.memory_space<hbm>>
    %dma_wait3A_327 = arith.constant 0 : i32
    %dma_wait3A_328 = tpu.memref_slice %arg3[%dma_wait3A_323, %mul3A_2, %dma_wait3A_327] : memref<77x1024x512xf32, #tpu.memory_space<hbm>> -> memref<1x32x512xf32, #tpu.memory_space<hbm>>
    %dma_wait3A_329 = tpu.memref_squeeze %dma_wait3A_328 : memref<1x32x512xf32, #tpu.memory_space<hbm>> -> memref<32x512xf32, #tpu.memory_space<hbm>>
    tpu.wait_dma2 semaphore(%arg14 : memref<!tpu.dma_semaphore, #tpu.memory_space<semaphore_mem>>) src(%arg6 : memref<32x512xf32, #tpu.memory_space<vmem>>) dst(%dma_wait3A_329 : memref<32x512xf32, #tpu.memory_space<hbm>>)
    %dma_start3A_330 = arith.constant 14 : i32
    %dma_start3A_331 = arith.constant 0 : i32
    %dma_start3A_332 = tpu.memref_slice %arg2[%dma_start3A_330, %mul3A_2, %dma_start3A_331] : memref<15x1024x512xf32, #tpu.memory_space<hbm>> -> memref<1x32x512xf32, #tpu.memory_space<hbm>>
    %dma_start3A_333 = tpu.memref_squeeze %dma_start3A_332 : memref<1x32x512xf32, #tpu.memory_space<hbm>> -> memref<32x512xf32, #tpu.memory_space<hbm>>
    %dma_start3A_334 = arith.constant 0 : i32
    %dma_start3A_335 = tpu.memref_slice %arg2[%dma_start3A_330, %mul3A_2, %dma_start3A_334] : memref<15x1024x512xf32, #tpu.memory_space<hbm>> -> memref<1x32x512xf32, #tpu.memory_space<hbm>>
    %dma_start3A_336 = tpu.memref_squeeze %dma_start3A_335 : memref<1x32x512xf32, #tpu.memory_space<hbm>> -> memref<32x512xf32, #tpu.memory_space<hbm>>
    tpu.enqueue_dma source(%dma_start3A_336 : memref<32x512xf32, #tpu.memory_space<hbm>>) target(%arg6 : memref<32x512xf32, #tpu.memory_space<vmem>>) target_semaphore(%arg10 : memref<!tpu.dma_semaphore, #tpu.memory_space<semaphore_mem>>)
    %dma_wait3A_337 = arith.constant 11 : i32
    %dma_wait3A_338 = arith.constant 0 : i32
    %dma_wait3A_339 = tpu.memref_slice %arg2[%dma_wait3A_337, %mul3A_2, %dma_wait3A_338] : memref<15x1024x512xf32, #tpu.memory_space<hbm>> -> memref<1x32x512xf32, #tpu.memory_space<hbm>>
    %dma_wait3A_340 = tpu.memref_squeeze %dma_wait3A_339 : memref<1x32x512xf32, #tpu.memory_space<hbm>> -> memref<32x512xf32, #tpu.memory_space<hbm>>
    %dma_wait3A_341 = arith.constant 0 : i32
    %dma_wait3A_342 = tpu.memref_slice %arg2[%dma_wait3A_337, %mul3A_2, %dma_wait3A_341] : memref<15x1024x512xf32, #tpu.memory_space<hbm>> -> memref<1x32x512xf32, #tpu.memory_space<hbm>>
    %dma_wait3A_343 = tpu.memref_squeeze %dma_wait3A_342 : memref<1x32x512xf32, #tpu.memory_space<hbm>> -> memref<32x512xf32, #tpu.memory_space<hbm>>
    tpu.wait_dma2 semaphore(%arg11 : memref<!tpu.dma_semaphore, #tpu.memory_space<semaphore_mem>>) src(%dma_wait3A_343 : memref<32x512xf32, #tpu.memory_space<hbm>>) dst(%arg7 : memref<32x512xf32, #tpu.memory_space<vmem>>)
    %dma_start3A_344 = arith.constant 34 : i32
    %dma_start3A_345 = arith.constant 0 : i32
    %dma_start3A_346 = tpu.memref_slice %arg3[%dma_start3A_344, %mul3A_2, %dma_start3A_345] : memref<77x1024x512xf32, #tpu.memory_space<hbm>> -> memref<1x32x512xf32, #tpu.memory_space<hbm>>
    %dma_start3A_347 = tpu.memref_squeeze %dma_start3A_346 : memref<1x32x512xf32, #tpu.memory_space<hbm>> -> memref<32x512xf32, #tpu.memory_space<hbm>>
    %dma_start3A_348 = arith.constant 0 : i32
    %dma_start3A_349 = tpu.memref_slice %arg3[%dma_start3A_344, %mul3A_2, %dma_start3A_348] : memref<77x1024x512xf32, #tpu.memory_space<hbm>> -> memref<1x32x512xf32, #tpu.memory_space<hbm>>
    %dma_start3A_350 = tpu.memref_squeeze %dma_start3A_349 : memref<1x32x512xf32, #tpu.memory_space<hbm>> -> memref<32x512xf32, #tpu.memory_space<hbm>>
    tpu.enqueue_dma source(%arg7 : memref<32x512xf32, #tpu.memory_space<vmem>>) target(%dma_start3A_350 : memref<32x512xf32, #tpu.memory_space<hbm>>) target_semaphore(%arg15 : memref<!tpu.dma_semaphore, #tpu.memory_space<semaphore_mem>>)
    %dma_wait3A_351 = arith.constant 12 : i32
    %dma_wait3A_352 = arith.constant 0 : i32
    %dma_wait3A_353 = tpu.memref_slice %arg2[%dma_wait3A_351, %mul3A_2, %dma_wait3A_352] : memref<15x1024x512xf32, #tpu.memory_space<hbm>> -> memref<1x32x512xf32, #tpu.memory_space<hbm>>
    %dma_wait3A_354 = tpu.memref_squeeze %dma_wait3A_353 : memref<1x32x512xf32, #tpu.memory_space<hbm>> -> memref<32x512xf32, #tpu.memory_space<hbm>>
    %dma_wait3A_355 = arith.constant 0 : i32
    %dma_wait3A_356 = tpu.memref_slice %arg2[%dma_wait3A_351, %mul3A_2, %dma_wait3A_355] : memref<15x1024x512xf32, #tpu.memory_space<hbm>> -> memref<1x32x512xf32, #tpu.memory_space<hbm>>
    %dma_wait3A_357 = tpu.memref_squeeze %dma_wait3A_356 : memref<1x32x512xf32, #tpu.memory_space<hbm>> -> memref<32x512xf32, #tpu.memory_space<hbm>>
    tpu.wait_dma2 semaphore(%arg8 : memref<!tpu.dma_semaphore, #tpu.memory_space<semaphore_mem>>) src(%dma_wait3A_357 : memref<32x512xf32, #tpu.memory_space<hbm>>) dst(%arg4 : memref<32x512xf32, #tpu.memory_space<vmem>>)
    %dma_start3A_358 = arith.constant 35 : i32
    %dma_start3A_359 = arith.constant 0 : i32
    %dma_start3A_360 = tpu.memref_slice %arg3[%dma_start3A_358, %mul3A_2, %dma_start3A_359] : memref<77x1024x512xf32, #tpu.memory_space<hbm>> -> memref<1x32x512xf32, #tpu.memory_space<hbm>>
    %dma_start3A_361 = tpu.memref_squeeze %dma_start3A_360 : memref<1x32x512xf32, #tpu.memory_space<hbm>> -> memref<32x512xf32, #tpu.memory_space<hbm>>
    %dma_start3A_362 = arith.constant 0 : i32
    %dma_start3A_363 = tpu.memref_slice %arg3[%dma_start3A_358, %mul3A_2, %dma_start3A_362] : memref<77x1024x512xf32, #tpu.memory_space<hbm>> -> memref<1x32x512xf32, #tpu.memory_space<hbm>>
    %dma_start3A_364 = tpu.memref_squeeze %dma_start3A_363 : memref<1x32x512xf32, #tpu.memory_space<hbm>> -> memref<32x512xf32, #tpu.memory_space<hbm>>
    tpu.enqueue_dma source(%arg4 : memref<32x512xf32, #tpu.memory_space<vmem>>) target(%dma_start3A_364 : memref<32x512xf32, #tpu.memory_space<hbm>>) target_semaphore(%arg12 : memref<!tpu.dma_semaphore, #tpu.memory_space<semaphore_mem>>)
    %dma_wait3A_365 = arith.constant 13 : i32
    %dma_wait3A_366 = arith.constant 0 : i32
    %dma_wait3A_367 = tpu.memref_slice %arg2[%dma_wait3A_365, %mul3A_2, %dma_wait3A_366] : memref<15x1024x512xf32, #tpu.memory_space<hbm>> -> memref<1x32x512xf32, #tpu.memory_space<hbm>>
    %dma_wait3A_368 = tpu.memref_squeeze %dma_wait3A_367 : memref<1x32x512xf32, #tpu.memory_space<hbm>> -> memref<32x512xf32, #tpu.memory_space<hbm>>
    %dma_wait3A_369 = arith.constant 0 : i32
    %dma_wait3A_370 = tpu.memref_slice %arg2[%dma_wait3A_365, %mul3A_2, %dma_wait3A_369] : memref<15x1024x512xf32, #tpu.memory_space<hbm>> -> memref<1x32x512xf32, #tpu.memory_space<hbm>>
    %dma_wait3A_371 = tpu.memref_squeeze %dma_wait3A_370 : memref<1x32x512xf32, #tpu.memory_space<hbm>> -> memref<32x512xf32, #tpu.memory_space<hbm>>
    tpu.wait_dma2 semaphore(%arg9 : memref<!tpu.dma_semaphore, #tpu.memory_space<semaphore_mem>>) src(%dma_wait3A_371 : memref<32x512xf32, #tpu.memory_space<hbm>>) dst(%arg5 : memref<32x512xf32, #tpu.memory_space<vmem>>)
    %dma_start3A_372 = arith.constant 36 : i32
    %dma_start3A_373 = arith.constant 0 : i32
    %dma_start3A_374 = tpu.memref_slice %arg3[%dma_start3A_372, %mul3A_2, %dma_start3A_373] : memref<77x1024x512xf32, #tpu.memory_space<hbm>> -> memref<1x32x512xf32, #tpu.memory_space<hbm>>
    %dma_start3A_375 = tpu.memref_squeeze %dma_start3A_374 : memref<1x32x512xf32, #tpu.memory_space<hbm>> -> memref<32x512xf32, #tpu.memory_space<hbm>>
    %dma_start3A_376 = arith.constant 0 : i32
    %dma_start3A_377 = tpu.memref_slice %arg3[%dma_start3A_372, %mul3A_2, %dma_start3A_376] : memref<77x1024x512xf32, #tpu.memory_space<hbm>> -> memref<1x32x512xf32, #tpu.memory_space<hbm>>
    %dma_start3A_378 = tpu.memref_squeeze %dma_start3A_377 : memref<1x32x512xf32, #tpu.memory_space<hbm>> -> memref<32x512xf32, #tpu.memory_space<hbm>>
    tpu.enqueue_dma source(%arg5 : memref<32x512xf32, #tpu.memory_space<vmem>>) target(%dma_start3A_378 : memref<32x512xf32, #tpu.memory_space<hbm>>) target_semaphore(%arg13 : memref<!tpu.dma_semaphore, #tpu.memory_space<semaphore_mem>>)
    %dma_wait3A_379 = arith.constant 14 : i32
    %dma_wait3A_380 = arith.constant 0 : i32
    %dma_wait3A_381 = tpu.memref_slice %arg2[%dma_wait3A_379, %mul3A_2, %dma_wait3A_380] : memref<15x1024x512xf32, #tpu.memory_space<hbm>> -> memref<1x32x512xf32, #tpu.memory_space<hbm>>
    %dma_wait3A_382 = tpu.memref_squeeze %dma_wait3A_381 : memref<1x32x512xf32, #tpu.memory_space<hbm>> -> memref<32x512xf32, #tpu.memory_space<hbm>>
    %dma_wait3A_383 = arith.constant 0 : i32
    %dma_wait3A_384 = tpu.memref_slice %arg2[%dma_wait3A_379, %mul3A_2, %dma_wait3A_383] : memref<15x1024x512xf32, #tpu.memory_space<hbm>> -> memref<1x32x512xf32, #tpu.memory_space<hbm>>
    %dma_wait3A_385 = tpu.memref_squeeze %dma_wait3A_384 : memref<1x32x512xf32, #tpu.memory_space<hbm>> -> memref<32x512xf32, #tpu.memory_space<hbm>>
    tpu.wait_dma2 semaphore(%arg10 : memref<!tpu.dma_semaphore, #tpu.memory_space<semaphore_mem>>) src(%dma_wait3A_385 : memref<32x512xf32, #tpu.memory_space<hbm>>) dst(%arg6 : memref<32x512xf32, #tpu.memory_space<vmem>>)
    %dma_start3A_386 = arith.constant 37 : i32
    %dma_start3A_387 = arith.constant 0 : i32
    %dma_start3A_388 = tpu.memref_slice %arg3[%dma_start3A_386, %mul3A_2, %dma_start3A_387] : memref<77x1024x512xf32, #tpu.memory_space<hbm>> -> memref<1x32x512xf32, #tpu.memory_space<hbm>>
    %dma_start3A_389 = tpu.memref_squeeze %dma_start3A_388 : memref<1x32x512xf32, #tpu.memory_space<hbm>> -> memref<32x512xf32, #tpu.memory_space<hbm>>
    %dma_start3A_390 = arith.constant 0 : i32
    %dma_start3A_391 = tpu.memref_slice %arg3[%dma_start3A_386, %mul3A_2, %dma_start3A_390] : memref<77x1024x512xf32, #tpu.memory_space<hbm>> -> memref<1x32x512xf32, #tpu.memory_space<hbm>>
    %dma_start3A_392 = tpu.memref_squeeze %dma_start3A_391 : memref<1x32x512xf32, #tpu.memory_space<hbm>> -> memref<32x512xf32, #tpu.memory_space<hbm>>
    tpu.enqueue_dma source(%arg6 : memref<32x512xf32, #tpu.memory_space<vmem>>) target(%dma_start3A_392 : memref<32x512xf32, #tpu.memory_space<hbm>>) target_semaphore(%arg14 : memref<!tpu.dma_semaphore, #tpu.memory_space<semaphore_mem>>)
    %dma_wait3A_393 = arith.constant 35 : i32
    %dma_wait3A_394 = arith.constant 0 : i32
    %dma_wait3A_395 = tpu.memref_slice %arg3[%dma_wait3A_393, %mul3A_2, %dma_wait3A_394] : memref<77x1024x512xf32, #tpu.memory_space<hbm>> -> memref<1x32x512xf32, #tpu.memory_space<hbm>>
    %dma_wait3A_396 = tpu.memref_squeeze %dma_wait3A_395 : memref<1x32x512xf32, #tpu.memory_space<hbm>> -> memref<32x512xf32, #tpu.memory_space<hbm>>
    %dma_wait3A_397 = arith.constant 0 : i32
    %dma_wait3A_398 = tpu.memref_slice %arg3[%dma_wait3A_393, %mul3A_2, %dma_wait3A_397] : memref<77x1024x512xf32, #tpu.memory_space<hbm>> -> memref<1x32x512xf32, #tpu.memory_space<hbm>>
    %dma_wait3A_399 = tpu.memref_squeeze %dma_wait3A_398 : memref<1x32x512xf32, #tpu.memory_space<hbm>> -> memref<32x512xf32, #tpu.memory_space<hbm>>
    tpu.wait_dma2 semaphore(%arg12 : memref<!tpu.dma_semaphore, #tpu.memory_space<semaphore_mem>>) src(%arg4 : memref<32x512xf32, #tpu.memory_space<vmem>>) dst(%dma_wait3A_399 : memref<32x512xf32, #tpu.memory_space<hbm>>)
    %dma_wait3A_400 = arith.constant 36 : i32
    %dma_wait3A_401 = arith.constant 0 : i32
    %dma_wait3A_402 = tpu.memref_slice %arg3[%dma_wait3A_400, %mul3A_2, %dma_wait3A_401] : memref<77x1024x512xf32, #tpu.memory_space<hbm>> -> memref<1x32x512xf32, #tpu.memory_space<hbm>>
    %dma_wait3A_403 = tpu.memref_squeeze %dma_wait3A_402 : memref<1x32x512xf32, #tpu.memory_space<hbm>> -> memref<32x512xf32, #tpu.memory_space<hbm>>
    %dma_wait3A_404 = arith.constant 0 : i32
    %dma_wait3A_405 = tpu.memref_slice %arg3[%dma_wait3A_400, %mul3A_2, %dma_wait3A_404] : memref<77x1024x512xf32, #tpu.memory_space<hbm>> -> memref<1x32x512xf32, #tpu.memory_space<hbm>>
    %dma_wait3A_406 = tpu.memref_squeeze %dma_wait3A_405 : memref<1x32x512xf32, #tpu.memory_space<hbm>> -> memref<32x512xf32, #tpu.memory_space<hbm>>
    tpu.wait_dma2 semaphore(%arg13 : memref<!tpu.dma_semaphore, #tpu.memory_space<semaphore_mem>>) src(%arg5 : memref<32x512xf32, #tpu.memory_space<vmem>>) dst(%dma_wait3A_406 : memref<32x512xf32, #tpu.memory_space<hbm>>)
    %dma_wait3A_407 = arith.constant 37 : i32
    %dma_wait3A_408 = arith.constant 0 : i32
    %dma_wait3A_409 = tpu.memref_slice %arg3[%dma_wait3A_407, %mul3A_2, %dma_wait3A_408] : memref<77x1024x512xf32, #tpu.memory_space<hbm>> -> memref<1x32x512xf32, #tpu.memory_space<hbm>>
    %dma_wait3A_410 = tpu.memref_squeeze %dma_wait3A_409 : memref<1x32x512xf32, #tpu.memory_space<hbm>> -> memref<32x512xf32, #tpu.memory_space<hbm>>
    %dma_wait3A_411 = arith.constant 0 : i32
    %dma_wait3A_412 = tpu.memref_slice %arg3[%dma_wait3A_407, %mul3A_2, %dma_wait3A_411] : memref<77x1024x512xf32, #tpu.memory_space<hbm>> -> memref<1x32x512xf32, #tpu.memory_space<hbm>>
    %dma_wait3A_413 = tpu.memref_squeeze %dma_wait3A_412 : memref<1x32x512xf32, #tpu.memory_space<hbm>> -> memref<32x512xf32, #tpu.memory_space<hbm>>
    tpu.wait_dma2 semaphore(%arg14 : memref<!tpu.dma_semaphore, #tpu.memory_space<semaphore_mem>>) src(%arg6 : memref<32x512xf32, #tpu.memory_space<vmem>>) dst(%dma_wait3A_413 : memref<32x512xf32, #tpu.memory_space<hbm>>)
    %dma_wait3A_414 = arith.constant 34 : i32
    %dma_wait3A_415 = arith.constant 0 : i32
    %dma_wait3A_416 = tpu.memref_slice %arg3[%dma_wait3A_414, %mul3A_2, %dma_wait3A_415] : memref<77x1024x512xf32, #tpu.memory_space<hbm>> -> memref<1x32x512xf32, #tpu.memory_space<hbm>>
    %dma_wait3A_417 = tpu.memref_squeeze %dma_wait3A_416 : memref<1x32x512xf32, #tpu.memory_space<hbm>> -> memref<32x512xf32, #tpu.memory_space<hbm>>
    %dma_wait3A_418 = arith.constant 0 : i32
    %dma_wait3A_419 = tpu.memref_slice %arg3[%dma_wait3A_414, %mul3A_2, %dma_wait3A_418] : memref<77x1024x512xf32, #tpu.memory_space<hbm>> -> memref<1x32x512xf32, #tpu.memory_space<hbm>>
    %dma_wait3A_420 = tpu.memref_squeeze %dma_wait3A_419 : memref<1x32x512xf32, #tpu.memory_space<hbm>> -> memref<32x512xf32, #tpu.memory_space<hbm>>
    tpu.wait_dma2 semaphore(%arg15 : memref<!tpu.dma_semaphore, #tpu.memory_space<semaphore_mem>>) src(%arg7 : memref<32x512xf32, #tpu.memory_space<vmem>>) dst(%dma_wait3A_420 : memref<32x512xf32, #tpu.memory_space<hbm>>)
    return
  }
}

</mosaic_0001>

<sc_bundles>
// kernel: _sc_patch.3.cloned.1.call-start
scs
__scs_entry_jumppad:
0x0: {  	(pc) =	sbr.rel $0x88, $3  }
0x1: {  	(tag) =	ssettag $0x0;
	lr =	simm.s32 $0x1  }
0x2: {  	[smem:$0x3FA0] =	sst lr;
	_ =	strace $0xD0000000  }
0x3: {  	_ = 	snop  }
0x4: {  	_ = 	snop  }
0x5: {  	_ = 	snop  }
0x6: {  	_ = 	snop  }
0x7: {  	_ = 	snop  }
__scs_overlays_trampoline_lowered:
0x8: {  	[smem:$0x3FAF] =	sst s0  }
0x9: {  	[smem:$0x3FB0] =	sst s1  }
0xa: {  	[smem:$0x3FB1] =	sst s2  }
0xb: {  	[smem:$0x3FB2] =	sst s3  }
0xc: {  	[smem:$0x3FB3] =	sst s4  }
0xd: {  	[smem:$0x3FB4] =	sst s5  }
0xe: {  	[smem:$0x3FB5] =	sst s6  }
0xf: {  	[smem:$0x3FB6] =	sst s7  }
0x10: {  	[smem:$0x3FB7] =	sst s8  }
0x11: {  	[smem:$0x3FB8] =	sst s9;
	s0 =	simm.s32 @!p0 $0x0  }
0x12: {  	s1 =	sld [smem:$0x3F9E];
	s0 =	simm.s32 @p0 $0x1  }
0x13: {  	[smem:$0x3FB9] =	sst s0;
	s0 =	simm.s32 @!p1 $0x0  }
0x14: {  	s2 =	sld [smem:$0x3F9D];
	s0 =	simm.s32 @p1 $0x1  }
0x15: {  	[smem:$0x3FBA] =	sst s0;
	s0 =	simm.s32 @!p2 $0x0  }
0x16: {  	s3 =	sld [smem:$0x3FDB];
	s0 =	simm.s32 @p2 $0x1  }
0x17: {  	s4 =	simm.s32 $0x1BF5;
	[smem:$0x3FBC] =	sst s0  }
0x18: {  	s0 =	sld [smem:$0x3F9F];
	_ =	swait.ge [sflag:s4], $0x0  }
0x19: {  	s7 =	sld [smem:$0x3FA0]  }
0x1a: {  	s8 =	sadd.s32 $0xFFFFE003, lr  }
0x1b: {  	s9 =	sadd.s32 $0xFFFFFEF7, lr;
	s5 =	simm.s32 $0xFFFFFFFF;
	p2 =	slt.u32 s8, $0xFFFFF086  }
0x1c: {  	p1 =	slt.u32 s9, $0xF7A;
	s5 =	simm.s32 @!p2 $0x0  }
0x1d: {  	s5 =	simm.s32 @p1 $0x1;
	p0 =	seq.s32 s7, s2  }
0x1e: {  	s7 =	smul.u32 @!p0 $0xF7A, s2;
	p2 =	seq.s32 @!p0 s5, $0x0  }
0x1f: {  	s9 =	smul.u32 $0xF7A, s1;
	s8 =	simm.s32 @!p0 $0x1BF5;
	p2 =	por !p2, p0  }
0x20: {  	[sflag:s8] =	ssyncset.s32 @!p0 $0xFFFFF086;
	s6 =	sadd.s32 @!p0 s3, s7;
	s7 =	simm.s32 @!p0 $0x108  }
0x21: {  	s3 =	sadd.s32 s3, s9;
	s6 =	sadd.s32 @!p0 $0x88, s6;
	s7 =	simm.s32 @p2 $0x1082  }
0x22: {  	[simem:s7], [sflag:s8] =	dma.local @!p0 [hbm:s6], $0xF7A  }
0x23: {  	s9 =	sor.u32 $0xD0000000, s2;
	s6 =	simm.s32 $0x108;
	_ =	swait.ge @!p0 [sflag:s8], $0x0  }
0x24: {  	s3 =	sadd.s32 $0x88, s3;
	s6 =	simm.s32 @!p1 $0x1082;
	[sflag:s4] =	ssyncset.s32 $0xFFFFF086  }
0x25: {  	[simem:s6], [sflag:s4] =	dma.local [hbm:s3], $0xF7A  }
0x26: {  	[smem:$0x3FA0] =	sst s1;
	(tag) =	ssettag s2;
	_ =	strace s9  }
0x27: {  	s1 =	sld [smem:$0x3FB0]  }
0x28: {  	s2 =	sld [smem:$0x3FB1]  }
0x29: {  	s4 =	sld [smem:$0x3FB3]  }
0x2a: {  	p0 =	seq.s32 s5, $0x0;
	s5 =	sld [smem:$0x3FB4]  }
0x2b: {  	s6 =	sld [smem:$0x3FB5]  }
0x2c: {  	s7 =	sld [smem:$0x3FB6]  }
0x2d: {  	s3 =	simm.s32 $0x108;
	s8 =	sld [smem:$0x3FB7]  }
0x2e: {  	s3 =	simm.s32 @!p0 $0x1082;
	s9 =	sld [smem:$0x3FB8]  }
0x2f: {  	lr =	sadd.s32 s0, s3;
	s0 =	sld [smem:$0x3FAF]  }
0x30: {  	s3 =	sld [smem:$0x3FB2]  }
0x31: {  	[smem:$0x3FBB] =	sst s10  }
0x32: {  	s10 =	sld [smem:$0x3FB9];
	_ =	sdelay $0x3  }
0x33: {  	p0 =	seq.s32 s10, $0x1;
	s10 =	sld [smem:$0x3FBB];
	_ =	sdelay $0x3  }
0x34: {  	[smem:$0x3FBB] =	sst s10  }
0x35: {  	s10 =	sld [smem:$0x3FBA];
	_ =	sdelay $0x3  }
0x36: {  	p1 =	seq.s32 s10, $0x1;
	s10 =	sld [smem:$0x3FBB];
	_ =	sdelay $0x3  }
0x37: {  	[smem:$0x3FBB] =	sst s10  }
0x38: {  	s10 =	sld [smem:$0x3FBC]  }
0x39: {  	_ = 	snop;
	(pc) =	sbr.ind lr, $3  }
0x3a: {  	_ = 	snop  }
0x3b: {  	_ = 	snop  }
0x3c: {  	p2 =	seq.s32 s10, $0x1;
	s10 =	sld [smem:$0x3FBB]  }
0x3d: {  	_ =	shalt  }
0x3e: {  	_ =	shalt  }
0x3f: {  	_ =	shalt  }
0x40: {  	_ =	shalt  }
0x41: {  	_ =	shalt  }
0x42: {  	_ =	shalt  }
0x43: {  	_ =	shalt  }
0x44: {  	_ =	shalt  }
0x45: {  	_ =	shalt  }
0x46: {  	_ =	shalt  }
0x47: {  	_ =	shalt  }
0x48: {  	_ =	shalt  }
0x49: {  	_ =	shalt  }
0x4a: {  	_ =	shalt  }
0x4b: {  	_ =	shalt  }
0x4c: {  	_ =	shalt  }
0x4d: {  	_ =	shalt  }
0x4e: {  	_ =	shalt  }
0x4f: {  	_ =	shalt  }
0x50: {  	_ =	shalt  }
0x51: {  	_ =	shalt  }
0x52: {  	_ =	shalt  }
0x53: {  	_ =	shalt  }
0x54: {  	_ =	shalt  }
0x55: {  	_ =	shalt  }
0x56: {  	_ =	shalt  }
0x57: {  	_ =	shalt  }
0x58: {  	_ =	shalt  }
0x59: {  	_ =	shalt  }
0x5a: {  	_ =	shalt  }
0x5b: {  	_ =	shalt  }
0x5c: {  	_ =	shalt  }
0x5d: {  	_ =	shalt  }
0x5e: {  	_ =	shalt  }
0x5f: {  	_ =	shalt  }
0x60: {  	_ =	shalt  }
0x61: {  	_ =	shalt  }
0x62: {  	_ =	shalt  }
0x63: {  	_ =	shalt  }
0x64: {  	_ =	shalt  }
0x65: {  	_ =	shalt  }
0x66: {  	_ =	shalt  }
0x67: {  	_ =	shalt  }
0x68: {  	_ =	shalt  }
0x69: {  	_ =	shalt  }
0x6a: {  	_ =	shalt  }
0x6b: {  	_ =	shalt  }
0x6c: {  	_ =	shalt  }
0x6d: {  	_ =	shalt  }
0x6e: {  	_ =	shalt  }
0x6f: {  	_ =	shalt  }
0x70: {  	_ =	shalt  }
0x71: {  	_ =	shalt  }
0x72: {  	_ =	shalt  }
0x73: {  	_ =	shalt  }
0x74: {  	_ =	shalt  }
0x75: {  	_ =	shalt  }
0x76: {  	_ =	shalt  }
0x77: {  	_ =	shalt  }
0x78: {  	_ =	shalt  }
0x79: {  	_ =	shalt  }
0x7a: {  	_ =	shalt  }
0x7b: {  	_ =	shalt  }
0x7c: {  	_ =	shalt  }
0x7d: {  	_ =	shalt  }
0x7e: {  	_ =	shalt  }
0x7f: {  	_ =	shalt  }
0x80: {  	_ =	shalt  }
0x81: {  	_ =	shalt  }
0x82: {  	_ =	shalt  }
0x83: {  	_ =	shalt  }
0x84: {  	_ =	shalt  }
0x85: {  	_ =	shalt  }
0x86: {  	_ =	shalt  }
0x87: {  	_ =	shalt  }
.Lfunc_end0:
.L_simem_size_0:
called_computation_lowered:
.L_overlay_start_0:
0x88: {  	s2 =	sld [smem:$0x3FD9]  }
0x89: {  	s3 =	sld [smem:$0x3FFE];
	_ =	sdelay $0x1  }
0x8a: {  	s1 =	srdreg.scid  }
0x8b: {  	s0 =	sand.u32 $0x1, s1  }
0x8c: {  	s18 =	sshll.u32 s0, $0xA;
	s2 =	sadd.s32 s3, s2  }
0x8d: {  	s2 =	sadd.s32 s2, s18  }
0x8e: {  	[smem:$0x3FC7] =	sst s2  }
0x8f: {  	_ = 	snop  }
0x90: {  	s2 =	sld [smem:$0x3FC9]  }
0x91: {  	s19 =	sld [smem:$0x3FD0];
	(tm) =	ssettm $0x1  }
0x92: {  	s4 =	sld [smem:$0x3FFB];
	_ =	sdelay $0x3  }
0x93: {  	_ =	strace s4  }
0x94: {  	s4 =	sld [smem:$0x3FFC];
	_ =	sdelay $0x3  }
0x95: {  	_ =	strace s4  }
0x96: {  	s4 =	sld [smem:$0x3FFD];
	_ =	sdelay $0x3  }
0x97: {  	_ =	strace s4  }
0x98: {  	_ =	strace $0x8FFFFFFF  }
0x99: {  	s20 =	sld [smem:$0x3FDB];
	_ =	sdelay $0x1  }
0x9a: {  	s5 =	simm.s32 $_scs_section_size  }
0x9b: {  	s6 =	simm.s32 $_size__tile_overlayer_lowered;
	s7 =	simm.s32 $_tile_overlayer_lowered  }
0x9c: {  	s23 =	simm.s32 $0x1BFF;
	s22 =	sshll.u32 s7, $0x1;
	s4 =	sadd.s32 s5, s20  }
0x9d: {  	s8 =	simm.s32 $0x0;
	s21 =	sshll.u32 s6, $0x1;
	s6 =	sadd.s32 s22, s4  }
0x9e: {  	[timem:s8], [sflag:s23] =	dma.local [hbm:s6], s21  }
0x9f: {  	_ =	swait.ge [sflag:s23], s21  }
0xa0: {  	s5 =	ssub.s32 $0x0, s21;
	[sflag:s23] =	ssyncset.done $0x0  }
0xa1: {  	[sflag:s23] =	ssyncadd.s32 s5;
	_ =	sdelay $0x1  }
0xa2: {  	s24 =	simm.s32 $0x1B8B  }
0xa3: {  	_ =	swait.ge [sflag:s24], $0x1  }
0xa4: {  	[sflag:s24] =	ssyncset.done $0x0  }
0xa5: {  	s25 =	simm.s32 $0x1B8E;
	[sflag:s24] =	ssyncadd.s32 $0xFFFFFFFF  }
0xa6: {  	s26 =	simm.s32 $execute0_lowered;
	[smem:$0x3FD2] =	sst s25  }
0xa7: {  	s5 =	sshll.u32 s26, $0x1;
	_ =	strace $0x80000046;
	[dreg:$0x1] =	wrdreg $0xFFFFFFFF  }
0xa8: {  	s28 =	simm.s32 $_size_execute0_lowered;
	s4 =	sadd.s32 s4, s5;
	[dreg:$0x0] =	wrdreg $0x0  }
0xa9: {  	s5 =	sshll.u32 s28, $0x1;
	[dreg:$0x2] =	wrdreg s4  }
0xaa: {  	[dreg:$0x3] =	wrdreg s5  }
0xab: {  	[dreg:$0x4] =	wrdreg $0xC0  }
0xac: {  	_ =	task [dreg:s8], $0x5FFFF  }
0xad: {  	[dreg:$0x1] =	wrdreg $0xFFFFFFFF  }
0xae: {  	[dreg:$0x0] =	wrdreg $0x60  }
0xaf: {  	[dreg:$0x2] =	wrdreg s2  }
0xb0: {  	[dreg:$0x3] =	wrdreg s19  }
0xb1: {  	[dreg:$0x4] =	wrdreg $0x9  }
0xb2: {  	_ =	task.clear_ibuf [dreg:s8], $0x5FFFF;
	_ =	strace $0x90000046  }
0xb3: {  	s29 =	simm.s32 $0x9;
	_ =	strace $0x80000048  }
0xb4: {  	_ =	swait.ge [sflag:s29], $0x1  }
0xb5: {  	[sflag:s29] =	ssyncadd.s32 $0xFFFFFFFF  }
0xb6: {  	_ =	strace $0x90000048  }
0xb7: {  	_ =	sfence  }
0xb8: {  	s30 =	sld [smem:$0x0];
	_ =	sdelay $0x2  }
0xb9: {  	s31 =	sshll.u32 s1, $0xD;
	s1 =	sshrl.u32 s1, $0x2  }
0xba: {  	s3 =	sand.u32 $0x4000, s31;
	s1 =	sadd.s32 s1, s30  }
0xbb: {  	s0 =	sor.u32 s3, s0;
	s1 =	sshll.u32 s1, $0x11  }
0xbc: {  	s0 =	sor.u32 s1, s0  }
0xbd: {  	s0 =	sadd.s32 $0x8F2B, s0  }
0xbe: {  	[sflag:s0] =	ssyncadd.remote.s32 $0x1  }
0xbf: {  	_ =	sfence.sel $0xFFFF  }
0xc0: {  	[dreg:$0x0] =	wrdreg $0xFFFFFFFF;
	(pc) =	sbr.abs _section_cstart, $3  }
0xc1: {  	[dreg:$0x1] =	wrdreg $0xFFFFFFFF  }
0xc2: {  	_ =	task.clear_ibuf [dreg:s8], $0x2FFFF;
	_ =	strace $0x9FFFFFFF  }
0xc3: {  	(tm) =	ssettm $0x7FFFFFFF  }
tec
execute0_lowered:
.L_overlay_start_1:
0x0: {  	(tag) =	ssettag $0x1  }
0x1: {  	s1 =	srdreg.scid  }
0x2: {  	s0 =	stileid.u32;
	s1 =	sand.u32 $0x1, s1  }
0x3: {  	s5 =	sshll.u32 s0, $0xC;
	s6 =	sshll.u32 s1, $0xB  }
0x4: {  	s3 =	rddreg [dreg:$0x0];
	s2 =	simm.s32 $0x0;
	s5 =	sor.u32 s6, s5  }
0x5: {  	[smem:$0x7FF] =	sst s2;
	s0 =	sadd.s32 s3, s5  }
0x6: {  	s4 =	rddreg [dreg:$0x1];
	_ =	strace $0x80000047;
	s10 =	sadd.s32 $0x10000, s0  }
0x7: {  	[tilespmem:s2], [sflag:$0x1] =	stream.linear.gather [hbm4b:s0+s2], $0x4000, $0x38;
	[tilespmem:$0x10000] =	vst v63  }
0x8: {  	s11 =	sadd.s32 $0x20000, s0;
	[dreg:$0x3] =	wrdreg s10  }
0x9: {  	s31 =	sadd.s32 s5, s4;
	s12 =	sadd.s32 $0x30000, s0;
	[dreg:$0x4] =	wrdreg s11  }
0xa: {  	s4 =	sadd.s32 $0x170000, s31;
	[dreg:$0x5] =	wrdreg s12  }
0xb: {  	s13 =	sadd.s32 $0x40000, s0;
	[dreg:$0x6] =	wrdreg s4  }
0xc: {  	s14 =	sadd.s32 $0x180000, s31;
	[dreg:$0x7] =	wrdreg s13  }
0xd: {  	s15 =	sadd.s32 $0x50000, s0;
	[dreg:$0x8] =	wrdreg s14  }
0xe: {  	s16 =	sadd.s32 $0x190000, s31;
	[dreg:$0x9] =	wrdreg s15  }
0xf: {  	s17 =	sadd.s32 $0x60000, s0;
	[dreg:$0xa] =	wrdreg s16  }
0x10: {  	s18 =	sadd.s32 $0x1A0000, s31;
	[dreg:$0xb] =	wrdreg s17  }
0x11: {  	s19 =	sadd.s32 $0x70000, s0;
	[dreg:$0xc] =	wrdreg s18  }
0x12: {  	s20 =	sadd.s32 $0x1B0000, s31;
	[dreg:$0xd] =	wrdreg s19  }
0x13: {  	s7 =	sadd.s32 $0x80000, s0;
	[dreg:$0xe] =	wrdreg s20  }
0x14: {  	[dreg:$0xf] =	wrdreg s7  }
0x15: {  	s4 =	simm.s32 $0x4000;
	s21 =	rddreg [dreg:$0x3]  }
0x16: {  	[tilespmem:s4], [sflag:$0x2] =	stream.linear.gather [hbm4b:s21+s2], $0x4000, $0x38;
	[tilespmem:$0x10000] =	vst v63  }
0x17: {  	s5 =	simm.s32 $0x8000;
	s22 =	rddreg [dreg:$0x4]  }
0x18: {  	[tilespmem:s5], [sflag:$0x3] =	stream.linear.gather [hbm4b:s22+s2], $0x4000, $0x38;
	[tilespmem:$0x10000] =	vst v63  }
0x19: {  	s6 =	simm.s32 $0xC000;
	s7 =	simm.s32 $0x1;
	s8 =	rddreg [dreg:$0x5]  }
0x1a: {  	[tilespmem:s6], [sflag:$0x4] =	stream.linear.gather [hbm4b:s8+s2], $0x4000, $0x38;
	[tilespmem:$0x10000] =	vst v63  }
0x1b: {  	_ =	swait.ge [sflag:s7], $0x4000  }
0x1c: {  	[sflag:s7] =	ssyncset.done $0x0  }
0x1d: {  	s8 =	simm.s32 $0x5;
	s9 =	rddreg [dreg:$0x6];
	[sflag:s7] =	ssyncadd.s32 $0xFFFFC000  }
0x1e: {  	[hbm4b:s9+s2] =	stream.linear.scatter [tilespmem:s2], [sflag:$0x5], $0x4000, $0x38;
	[tilespmem:$0x10000] =	vst v63  }
0x1f: {  	_ =	swait.ge [sflag:s8], $0x4000  }
0x20: {  	[sflag:s8] =	ssyncset.done $0x0  }
0x21: {  	s9 =	simm.s32 $0x2;
	s10 =	rddreg [dreg:$0x7];
	[sflag:s8] =	ssyncadd.s32 $0xFFFFC000  }
0x22: {  	[tilespmem:s2], [sflag:$0x1] =	stream.linear.gather [hbm4b:s10+s2], $0x4000, $0x38;
	[tilespmem:$0x10000] =	vst v63  }
0x23: {  	_ =	swait.ge [sflag:s9], $0x4000  }
0x24: {  	[sflag:s9] =	ssyncset.done $0x0  }
0x25: {  	s10 =	simm.s32 $0x6;
	s11 =	rddreg [dreg:$0x8];
	[sflag:s9] =	ssyncadd.s32 $0xFFFFC000  }
0x26: {  	[hbm4b:s11+s2] =	stream.linear.scatter [tilespmem:s4], [sflag:$0x6], $0x4000, $0x38;
	[tilespmem:$0x10000] =	vst v63  }
0x27: {  	_ =	swait.ge [sflag:s10], $0x4000  }
0x28: {  	[sflag:s10] =	ssyncset.done $0x0  }
0x29: {  	s11 =	simm.s32 $0x3;
	s12 =	rddreg [dreg:$0x9];
	[sflag:s10] =	ssyncadd.s32 $0xFFFFC000  }
0x2a: {  	[tilespmem:s4], [sflag:$0x2] =	stream.linear.gather [hbm4b:s12+s2], $0x4000, $0x38;
	[tilespmem:$0x10000] =	vst v63  }
0x2b: {  	_ =	swait.ge [sflag:s11], $0x4000  }
0x2c: {  	[sflag:s11] =	ssyncset.done $0x0  }
0x2d: {  	s12 =	simm.s32 $0x7;
	s13 =	rddreg [dreg:$0xa];
	[sflag:s11] =	ssyncadd.s32 $0xFFFFC000  }
0x2e: {  	[hbm4b:s13+s2] =	stream.linear.scatter [tilespmem:s5], [sflag:$0x7], $0x4000, $0x38;
	[tilespmem:$0x10000] =	vst v63  }
0x2f: {  	_ =	swait.ge [sflag:s12], $0x4000  }
0x30: {  	[sflag:s12] =	ssyncset.done $0x0  }
0x31: {  	s13 =	simm.s32 $0x4;
	s14 =	rddreg [dreg:$0xb];
	[sflag:s12] =	ssyncadd.s32 $0xFFFFC000  }
0x32: {  	[tilespmem:s5], [sflag:$0x3] =	stream.linear.gather [hbm4b:s14+s2], $0x4000, $0x38;
	[tilespmem:$0x10000] =	vst v63  }
0x33: {  	_ =	swait.ge [sflag:s13], $0x4000  }
0x34: {  	[sflag:s13] =	ssyncset.done $0x0  }
0x35: {  	s14 =	simm.s32 $0x8;
	s15 =	rddreg [dreg:$0xc];
	[sflag:s13] =	ssyncadd.s32 $0xFFFFC000  }
0x36: {  	[hbm4b:s15+s2] =	stream.linear.scatter [tilespmem:s6], [sflag:$0x8], $0x4000, $0x38;
	[tilespmem:$0x10000] =	vst v63  }
0x37: {  	_ =	swait.ge [sflag:s14], $0x4000  }
0x38: {  	[sflag:s14] =	ssyncset.done $0x0  }
0x39: {  	s23 =	rddreg [dreg:$0xd];
	[sflag:s14] =	ssyncadd.s32 $0xFFFFC000  }
0x3a: {  	[tilespmem:s6], [sflag:$0x4] =	stream.linear.gather [hbm4b:s23+s2], $0x4000, $0x38;
	[tilespmem:$0x10000] =	vst v63  }
0x3b: {  	_ =	swait.ge [sflag:s7], $0x4000  }
0x3c: {  	[sflag:s7] =	ssyncset.done $0x0  }
0x3d: {  	s24 =	rddreg [dreg:$0xe];
	[sflag:s7] =	ssyncadd.s32 $0xFFFFC000  }
0x3e: {  	[hbm4b:s24+s2] =	stream.linear.scatter [tilespmem:s2], [sflag:$0x5], $0x4000, $0x38;
	[tilespmem:$0x10000] =	vst v63  }
0x3f: {  	_ =	swait.ge [sflag:s8], $0x4000  }
0x40: {  	[sflag:s8] =	ssyncset.done $0x0  }
0x41: {  	s25 =	rddreg [dreg:$0xf];
	[sflag:s8] =	ssyncadd.s32 $0xFFFFC000  }
0x42: {  	[tilespmem:s2], [sflag:$0x1] =	stream.linear.gather [hbm4b:s25+s2], $0x4000, $0x38;
	[tilespmem:$0x10000] =	vst v63  }
0x43: {  	_ =	swait.ge [sflag:s9], $0x4000  }
0x44: {  	s26 =	sadd.s32 $0x1C0000, s31;
	[sflag:s9] =	ssyncset.done $0x0  }
0x45: {  	[dreg:$0x10] =	wrdreg s26;
	[sflag:s9] =	ssyncadd.s32 $0xFFFFC000  }
0x46: {  	[hbm4b:s26+s2] =	stream.linear.scatter [tilespmem:s4], [sflag:$0x6], $0x4000, $0x38;
	[tilespmem:$0x10000] =	vst v63  }
0x47: {  	_ =	swait.ge [sflag:s10], $0x4000  }
0x48: {  	[sflag:s10] =	ssyncset.done $0x0  }
0x49: {  	s16 =	sadd.s32 $0x90000, s0;
	[sflag:s10] =	ssyncadd.s32 $0xFFFFC000  }
0x4a: {  	[tilespmem:s4], [sflag:$0x2] =	stream.linear.gather [hbm4b:s16+s2], $0x4000, $0x38;
	[tilespmem:$0x10000] =	vst v63  }
0x4b: {  	_ =	swait.ge [sflag:s11], $0x4000  }
0x4c: {  	[sflag:s11] =	ssyncset.done $0x0  }
0x4d: {  	s17 =	sadd.s32 $0x1D0000, s31;
	[sflag:s11] =	ssyncadd.s32 $0xFFFFC000  }
0x4e: {  	[hbm4b:s17+s2] =	stream.linear.scatter [tilespmem:s5], [sflag:$0x7], $0x4000, $0x38;
	[tilespmem:$0x10000] =	vst v63  }
0x4f: {  	_ =	swait.ge [sflag:s12], $0x4000  }
0x50: {  	[sflag:s12] =	ssyncset.done $0x0  }
0x51: {  	s18 =	sadd.s32 $0xA0000, s0;
	[sflag:s12] =	ssyncadd.s32 $0xFFFFC000  }
0x52: {  	[tilespmem:s5], [sflag:$0x3] =	stream.linear.gather [hbm4b:s18+s2], $0x4000, $0x38;
	[tilespmem:$0x10000] =	vst v63  }
0x53: {  	_ =	swait.ge [sflag:s13], $0x4000  }
0x54: {  	[sflag:s13] =	ssyncset.done $0x0  }
0x55: {  	s19 =	sadd.s32 $0x1E0000, s31;
	[sflag:s13] =	ssyncadd.s32 $0xFFFFC000  }
0x56: {  	[hbm4b:s19+s2] =	stream.linear.scatter [tilespmem:s6], [sflag:$0x8], $0x4000, $0x38;
	[tilespmem:$0x10000] =	vst v63  }
0x57: {  	_ =	swait.ge [sflag:s14], $0x4000  }
0x58: {  	[sflag:s14] =	ssyncset.done $0x0  }
0x59: {  	s20 =	sadd.s32 $0xB0000, s0;
	[sflag:s14] =	ssyncadd.s32 $0xFFFFC000  }
0x5a: {  	[tilespmem:s6], [sflag:$0x4] =	stream.linear.gather [hbm4b:s20+s2], $0x4000, $0x38;
	[tilespmem:$0x10000] =	vst v63  }
0x5b: {  	_ =	swait.ge [sflag:s7], $0x4000  }
0x5c: {  	[sflag:s7] =	ssyncset.done $0x0  }
0x5d: {  	s21 =	sadd.s32 $0x1F0000, s31;
	[sflag:s7] =	ssyncadd.s32 $0xFFFFC000  }
0x5e: {  	[hbm4b:s21+s2] =	stream.linear.scatter [tilespmem:s2], [sflag:$0x5], $0x4000, $0x38;
	[tilespmem:$0x10000] =	vst v63  }
0x5f: {  	_ =	swait.ge [sflag:s8], $0x4000  }
0x60: {  	[sflag:s8] =	ssyncset.done $0x0  }
0x61: {  	s22 =	sadd.s32 $0xC0000, s0;
	[sflag:s8] =	ssyncadd.s32 $0xFFFFC000  }
0x62: {  	[tilespmem:s2], [sflag:$0x1] =	stream.linear.gather [hbm4b:s22+s2], $0x4000, $0x38;
	[tilespmem:$0x10000] =	vst v63  }
0x63: {  	_ =	swait.ge [sflag:s9], $0x4000  }
0x64: {  	[sflag:s9] =	ssyncset.done $0x0  }
0x65: {  	s23 =	sadd.s32 $0x200000, s31;
	[sflag:s9] =	ssyncadd.s32 $0xFFFFC000  }
0x66: {  	[hbm4b:s23+s2] =	stream.linear.scatter [tilespmem:s4], [sflag:$0x6], $0x4000, $0x38;
	[tilespmem:$0x10000] =	vst v63  }
0x67: {  	_ =	swait.ge [sflag:s10], $0x4000  }
0x68: {  	[sflag:s10] =	ssyncset.done $0x0  }
0x69: {  	s24 =	sadd.s32 $0xD0000, s0;
	[sflag:s10] =	ssyncadd.s32 $0xFFFFC000  }
0x6a: {  	[tilespmem:s4], [sflag:$0x2] =	stream.linear.gather [hbm4b:s24+s2], $0x4000, $0x38;
	[tilespmem:$0x10000] =	vst v63  }
0x6b: {  	_ =	swait.ge [sflag:s11], $0x4000  }
0x6c: {  	[sflag:s11] =	ssyncset.done $0x0  }
0x6d: {  	s25 =	sadd.s32 $0x210000, s31;
	[sflag:s11] =	ssyncadd.s32 $0xFFFFC000  }
0x6e: {  	[hbm4b:s25+s2] =	stream.linear.scatter [tilespmem:s5], [sflag:$0x7], $0x4000, $0x38;
	[tilespmem:$0x10000] =	vst v63  }
0x6f: {  	_ =	swait.ge [sflag:s12], $0x4000  }
0x70: {  	[sflag:s12] =	ssyncset.done $0x0  }
0x71: {  	s26 =	sadd.s32 $0xE0000, s0;
	[sflag:s12] =	ssyncadd.s32 $0xFFFFC000  }
0x72: {  	[tilespmem:s5], [sflag:$0x3] =	stream.linear.gather [hbm4b:s26+s2], $0x4000, $0x38;
	[tilespmem:$0x10000] =	vst v63  }
0x73: {  	_ =	swait.ge [sflag:s13], $0x4000  }
0x74: {  	[sflag:s13] =	ssyncset.done $0x0  }
0x75: {  	s28 =	sadd.s32 $0x220000, s31;
	[sflag:s13] =	ssyncadd.s32 $0xFFFFC000  }
0x76: {  	[hbm4b:s28+s2] =	stream.linear.scatter [tilespmem:s6], [sflag:$0x8], $0x4000, $0x38;
	[tilespmem:$0x10000] =	vst v63  }
0x77: {  	_ =	swait.ge [sflag:s7], $0x4000  }
0x78: {  	[sflag:s7] =	ssyncset.done $0x0  }
0x79: {  	s29 =	sadd.s32 $0x230000, s31;
	[sflag:s7] =	ssyncadd.s32 $0xFFFFC000  }
0x7a: {  	[hbm4b:s29+s2] =	stream.linear.scatter [tilespmem:s2], [sflag:$0x5], $0x4000, $0x38;
	[tilespmem:$0x10000] =	vst v63  }
0x7b: {  	_ =	swait.ge [sflag:s9], $0x4000  }
0x7c: {  	[sflag:s9] =	ssyncset.done $0x0  }
0x7d: {  	s30 =	sadd.s32 $0x240000, s31;
	[sflag:s9] =	ssyncadd.s32 $0xFFFFC000  }
0x7e: {  	[hbm4b:s30+s2] =	stream.linear.scatter [tilespmem:s4], [sflag:$0x6], $0x4000, $0x38;
	[tilespmem:$0x10000] =	vst v63  }
0x7f: {  	_ =	swait.ge [sflag:s11], $0x4000  }
0x80: {  	[sflag:s11] =	ssyncset.done $0x0  }
0x81: {  	s31 =	sadd.s32 $0x250000, s31;
	[sflag:s11] =	ssyncadd.s32 $0xFFFFC000  }
0x82: {  	[hbm4b:s31+s2] =	stream.linear.scatter [tilespmem:s5], [sflag:$0x7], $0x4000, $0x38;
	[tilespmem:$0x10000] =	vst v63  }
0x83: {  	_ =	swait.ge [sflag:s8], $0x4000  }
0x84: {  	s1 =	ssub.s32 $0x2, s1;
	[sflag:s8] =	ssyncset.done $0x0  }
0x85: {  	s3 =	sshrl.u32 s1, $0x1;
	[sflag:s8] =	ssyncadd.s32 $0xFFFFC000  }
0x86: {  	s15 =	smov.u32 s0;
	s0 =	ssub.s32 s1, s3;
	_ =	swait.ge [sflag:s10], $0x4000  }
0x87: {  	s0 =	smax.u32 s0, $0x1;
	[sflag:s10] =	ssyncset.done $0x0  }
0x88: {  	p0 =	sne.s32 s0, $0x1;
	[sflag:s10] =	ssyncadd.s32 $0xFFFFC000  }
.Ltmp0:
0x89: {  	_ =	swait.ge [sflag:s12], $0x4000;
	(pc) =	sbr.rel @!p0 .LBB2_2-.Ltmp0, $4  }
0x8a: {  	[sflag:s12] =	ssyncset.done $0x0  }
0x8b: {  	[sflag:s12] =	ssyncadd.s32 $0xFFFFC000  }
0x8c: {  	_ =	swait.ge [sflag:s14], $0x4000  }
0x8d: {  	s1 =	sadd.s32 $0xFFFFFFFF, s0;
	[sflag:s14] =	ssyncset.done $0x0  }
.LBB2_1:
0x8e: {  	[sflag:s14] =	ssyncadd.s32 $0xFFFFC000  }
0x8f: {  	[tilespmem:s2], [sflag:$0x1] =	stream.linear.gather [hbm4b:s15+s2], $0x4000, $0x38;
	[tilespmem:$0x10000] =	vst v63  }
0x90: {  	s0 =	rddreg [dreg:$0x3]  }
0x91: {  	[tilespmem:s4], [sflag:$0x2] =	stream.linear.gather [hbm4b:s0+s2], $0x4000, $0x38;
	[tilespmem:$0x10000] =	vst v63  }
0x92: {  	s3 =	rddreg [dreg:$0x4]  }
0x93: {  	[tilespmem:s5], [sflag:$0x3] =	stream.linear.gather [hbm4b:s3+s2], $0x4000, $0x38;
	[tilespmem:$0x10000] =	vst v63  }
0x94: {  	s0 =	rddreg [dreg:$0x5]  }
0x95: {  	[tilespmem:s6], [sflag:$0x4] =	stream.linear.gather [hbm4b:s0+s2], $0x4000, $0x38;
	[tilespmem:$0x10000] =	vst v63  }
0x96: {  	_ =	swait.ge [sflag:s7], $0x4000  }
0x97: {  	[sflag:s7] =	ssyncset.done $0x0  }
0x98: {  	s3 =	rddreg [dreg:$0x6];
	[sflag:s7] =	ssyncadd.s32 $0xFFFFC000  }
0x99: {  	[hbm4b:s3+s2] =	stream.linear.scatter [tilespmem:s2], [sflag:$0x5], $0x4000, $0x38;
	[tilespmem:$0x10000] =	vst v63  }
0x9a: {  	_ =	swait.ge [sflag:s8], $0x4000  }
0x9b: {  	[sflag:s8] =	ssyncset.done $0x0  }
0x9c: {  	s3 =	rddreg [dreg:$0x7];
	[sflag:s8] =	ssyncadd.s32 $0xFFFFC000  }
0x9d: {  	[tilespmem:s2], [sflag:$0x1] =	stream.linear.gather [hbm4b:s3+s2], $0x4000, $0x38;
	[tilespmem:$0x10000] =	vst v63  }
0x9e: {  	_ =	swait.ge [sflag:s9], $0x4000  }
0x9f: {  	[sflag:s9] =	ssyncset.done $0x0  }
0xa0: {  	s3 =	rddreg [dreg:$0x8];
	[sflag:s9] =	ssyncadd.s32 $0xFFFFC000  }
0xa1: {  	[hbm4b:s3+s2] =	stream.linear.scatter [tilespmem:s4], [sflag:$0x6], $0x4000, $0x38;
	[tilespmem:$0x10000] =	vst v63  }
0xa2: {  	_ =	swait.ge [sflag:s10], $0x4000  }
0xa3: {  	[sflag:s10] =	ssyncset.done $0x0  }
0xa4: {  	s3 =	rddreg [dreg:$0x9];
	[sflag:s10] =	ssyncadd.s32 $0xFFFFC000  }
0xa5: {  	[tilespmem:s4], [sflag:$0x2] =	stream.linear.gather [hbm4b:s3+s2], $0x4000, $0x38;
	[tilespmem:$0x10000] =	vst v63  }
0xa6: {  	_ =	swait.ge [sflag:s11], $0x4000  }
0xa7: {  	[sflag:s11] =	ssyncset.done $0x0  }
0xa8: {  	s3 =	rddreg [dreg:$0xa];
	[sflag:s11] =	ssyncadd.s32 $0xFFFFC000  }
0xa9: {  	[hbm4b:s3+s2] =	stream.linear.scatter [tilespmem:s5], [sflag:$0x7], $0x4000, $0x38;
	[tilespmem:$0x10000] =	vst v63  }
0xaa: {  	_ =	swait.ge [sflag:s12], $0x4000  }
0xab: {  	[sflag:s12] =	ssyncset.done $0x0  }
0xac: {  	s3 =	rddreg [dreg:$0xb];
	[sflag:s12] =	ssyncadd.s32 $0xFFFFC000  }
0xad: {  	[tilespmem:s5], [sflag:$0x3] =	stream.linear.gather [hbm4b:s3+s2], $0x4000, $0x38;
	[tilespmem:$0x10000] =	vst v63  }
0xae: {  	_ =	swait.ge [sflag:s13], $0x4000  }
0xaf: {  	[sflag:s13] =	ssyncset.done $0x0  }
0xb0: {  	s3 =	rddreg [dreg:$0xc];
	[sflag:s13] =	ssyncadd.s32 $0xFFFFC000  }
0xb1: {  	[hbm4b:s3+s2] =	stream.linear.scatter [tilespmem:s6], [sflag:$0x8], $0x4000, $0x38;
	[tilespmem:$0x10000] =	vst v63  }
0xb2: {  	_ =	swait.ge [sflag:s14], $0x4000  }
0xb3: {  	[sflag:s14] =	ssyncset.done $0x0  }
0xb4: {  	s3 =	rddreg [dreg:$0xd];
	[sflag:s14] =	ssyncadd.s32 $0xFFFFC000  }
0xb5: {  	[tilespmem:s6], [sflag:$0x4] =	stream.linear.gather [hbm4b:s3+s2], $0x4000, $0x38;
	[tilespmem:$0x10000] =	vst v63  }
0xb6: {  	_ =	swait.ge [sflag:s7], $0x4000  }
0xb7: {  	[sflag:s7] =	ssyncset.done $0x0  }
0xb8: {  	s3 =	rddreg [dreg:$0xe];
	[sflag:s7] =	ssyncadd.s32 $0xFFFFC000  }
0xb9: {  	[hbm4b:s3+s2] =	stream.linear.scatter [tilespmem:s2], [sflag:$0x5], $0x4000, $0x38;
	[tilespmem:$0x10000] =	vst v63  }
0xba: {  	_ =	swait.ge [sflag:s8], $0x4000  }
0xbb: {  	[sflag:s8] =	ssyncset.done $0x0  }
0xbc: {  	s3 =	rddreg [dreg:$0xf];
	[sflag:s8] =	ssyncadd.s32 $0xFFFFC000  }
0xbd: {  	[tilespmem:s2], [sflag:$0x1] =	stream.linear.gather [hbm4b:s3+s2], $0x4000, $0x38;
	[tilespmem:$0x10000] =	vst v63  }
0xbe: {  	_ =	swait.ge [sflag:s9], $0x4000  }
0xbf: {  	[sflag:s9] =	ssyncset.done $0x0  }
0xc0: {  	s3 =	rddreg [dreg:$0x10];
	[sflag:s9] =	ssyncadd.s32 $0xFFFFC000  }
0xc1: {  	[hbm4b:s3+s2] =	stream.linear.scatter [tilespmem:s4], [sflag:$0x6], $0x4000, $0x38;
	[tilespmem:$0x10000] =	vst v63  }
0xc2: {  	_ =	swait.ge [sflag:s10], $0x4000  }
0xc3: {  	[sflag:s10] =	ssyncset.done $0x0  }
0xc4: {  	[sflag:s10] =	ssyncadd.s32 $0xFFFFC000  }
0xc5: {  	[tilespmem:s4], [sflag:$0x2] =	stream.linear.gather [hbm4b:s16+s2], $0x4000, $0x38;
	[tilespmem:$0x10000] =	vst v63  }
0xc6: {  	_ =	swait.ge [sflag:s11], $0x4000  }
0xc7: {  	[sflag:s11] =	ssyncset.done $0x0  }
0xc8: {  	[sflag:s11] =	ssyncadd.s32 $0xFFFFC000  }
0xc9: {  	[hbm4b:s17+s2] =	stream.linear.scatter [tilespmem:s5], [sflag:$0x7], $0x4000, $0x38;
	[tilespmem:$0x10000] =	vst v63  }
0xca: {  	_ =	swait.ge [sflag:s12], $0x4000  }
0xcb: {  	[sflag:s12] =	ssyncset.done $0x0  }
0xcc: {  	[sflag:s12] =	ssyncadd.s32 $0xFFFFC000  }
0xcd: {  	[tilespmem:s5], [sflag:$0x3] =	stream.linear.gather [hbm4b:s18+s2], $0x4000, $0x38;
	[tilespmem:$0x10000] =	vst v63  }
0xce: {  	_ =	swait.ge [sflag:s13], $0x4000  }
0xcf: {  	[sflag:s13] =	ssyncset.done $0x0  }
0xd0: {  	[sflag:s13] =	ssyncadd.s32 $0xFFFFC000  }
0xd1: {  	[hbm4b:s19+s2] =	stream.linear.scatter [tilespmem:s6], [sflag:$0x8], $0x4000, $0x38;
	[tilespmem:$0x10000] =	vst v63  }
0xd2: {  	_ =	swait.ge [sflag:s14], $0x4000  }
0xd3: {  	[sflag:s14] =	ssyncset.done $0x0  }
0xd4: {  	[sflag:s14] =	ssyncadd.s32 $0xFFFFC000  }
0xd5: {  	[tilespmem:s6], [sflag:$0x4] =	stream.linear.gather [hbm4b:s20+s2], $0x4000, $0x38;
	[tilespmem:$0x10000] =	vst v63  }
0xd6: {  	_ =	swait.ge [sflag:s7], $0x4000  }
0xd7: {  	[sflag:s7] =	ssyncset.done $0x0  }
0xd8: {  	[sflag:s7] =	ssyncadd.s32 $0xFFFFC000  }
0xd9: {  	[hbm4b:s21+s2] =	stream.linear.scatter [tilespmem:s2], [sflag:$0x5], $0x4000, $0x38;
	[tilespmem:$0x10000] =	vst v63  }
0xda: {  	_ =	swait.ge [sflag:s8], $0x4000  }
0xdb: {  	[sflag:s8] =	ssyncset.done $0x0  }
0xdc: {  	[sflag:s8] =	ssyncadd.s32 $0xFFFFC000  }
0xdd: {  	[tilespmem:s2], [sflag:$0x1] =	stream.linear.gather [hbm4b:s22+s2], $0x4000, $0x38;
	[tilespmem:$0x10000] =	vst v63  }
0xde: {  	_ =	swait.ge [sflag:s9], $0x4000  }
0xdf: {  	[sflag:s9] =	ssyncset.done $0x0  }
0xe0: {  	[sflag:s9] =	ssyncadd.s32 $0xFFFFC000  }
0xe1: {  	[hbm4b:s23+s2] =	stream.linear.scatter [tilespmem:s4], [sflag:$0x6], $0x4000, $0x38;
	[tilespmem:$0x10000] =	vst v63  }
0xe2: {  	_ =	swait.ge [sflag:s10], $0x4000  }
0xe3: {  	[sflag:s10] =	ssyncset.done $0x0  }
0xe4: {  	[sflag:s10] =	ssyncadd.s32 $0xFFFFC000  }
0xe5: {  	[tilespmem:s4], [sflag:$0x2] =	stream.linear.gather [hbm4b:s24+s2], $0x4000, $0x38;
	[tilespmem:$0x10000] =	vst v63  }
0xe6: {  	_ =	swait.ge [sflag:s11], $0x4000  }
0xe7: {  	[sflag:s11] =	ssyncset.done $0x0  }
0xe8: {  	[sflag:s11] =	ssyncadd.s32 $0xFFFFC000  }
0xe9: {  	[hbm4b:s25+s2] =	stream.linear.scatter [tilespmem:s5], [sflag:$0x7], $0x4000, $0x38;
	[tilespmem:$0x10000] =	vst v63  }
0xea: {  	_ =	swait.ge [sflag:s12], $0x4000  }
0xeb: {  	[sflag:s12] =	ssyncset.done $0x0  }
0xec: {  	[sflag:s12] =	ssyncadd.s32 $0xFFFFC000  }
0xed: {  	[tilespmem:s5], [sflag:$0x3] =	stream.linear.gather [hbm4b:s26+s2], $0x4000, $0x38;
	[tilespmem:$0x10000] =	vst v63  }
0xee: {  	_ =	swait.ge [sflag:s13], $0x4000  }
0xef: {  	[sflag:s13] =	ssyncset.done $0x0  }
0xf0: {  	[sflag:s13] =	ssyncadd.s32 $0xFFFFC000  }
0xf1: {  	[hbm4b:s28+s2] =	stream.linear.scatter [tilespmem:s6], [sflag:$0x8], $0x4000, $0x38;
	[tilespmem:$0x10000] =	vst v63  }
0xf2: {  	_ =	swait.ge [sflag:s7], $0x4000  }
0xf3: {  	[sflag:s7] =	ssyncset.done $0x0  }
0xf4: {  	[sflag:s7] =	ssyncadd.s32 $0xFFFFC000  }
0xf5: {  	[hbm4b:s29+s2] =	stream.linear.scatter [tilespmem:s2], [sflag:$0x5], $0x4000, $0x38;
	[tilespmem:$0x10000] =	vst v63  }
0xf6: {  	_ =	swait.ge [sflag:s9], $0x4000  }
0xf7: {  	[sflag:s9] =	ssyncset.done $0x0  }
0xf8: {  	[sflag:s9] =	ssyncadd.s32 $0xFFFFC000  }
0xf9: {  	[hbm4b:s30+s2] =	stream.linear.scatter [tilespmem:s4], [sflag:$0x6], $0x4000, $0x38;
	[tilespmem:$0x10000] =	vst v63  }
0xfa: {  	_ =	swait.ge [sflag:s11], $0x4000  }
0xfb: {  	[sflag:s11] =	ssyncset.done $0x0  }
0xfc: {  	[sflag:s11] =	ssyncadd.s32 $0xFFFFC000  }
0xfd: {  	[hbm4b:s31+s2] =	stream.linear.scatter [tilespmem:s5], [sflag:$0x7], $0x4000, $0x38;
	[tilespmem:$0x10000] =	vst v63  }
0xfe: {  	_ =	swait.ge [sflag:s8], $0x4000  }
0xff: {  	[sflag:s8] =	ssyncset.done $0x0  }
0x100: {  	[sflag:s8] =	ssyncadd.s32 $0xFFFFC000  }
0x101: {  	_ =	swait.ge [sflag:s10], $0x4000  }
0x102: {  	[sflag:s10] =	ssyncset.done $0x0  }
0x103: {  	p0 =	sne.s32 s1, $0x1;
	[sflag:s10] =	ssyncadd.s32 $0xFFFFC000  }
.Ltmp1:
0x104: {  	_ =	swait.ge [sflag:s12], $0x4000;
	(pc) =	sbr.rel @p0 .LBB2_1-.Ltmp1, $4  }
0x105: {  	[sflag:s12] =	ssyncset.done $0x0  }
0x106: {  	[sflag:s12] =	ssyncadd.s32 $0xFFFFC000  }
0x107: {  	_ =	swait.ge [sflag:s14], $0x4000  }
0x108: {  	s1 =	sadd.s32 $0xFFFFFFFF, s1;
	[sflag:s14] =	ssyncset.done $0x0  }
.LBB2_2:
0x109: {  	[sflag:s14] =	ssyncadd.s32 $0xFFFFC000  }
0x10a: {  	_ =	sfence.sel $0x180000  }
0x10b: {  	[bflag:$0x0] =	sbarrier.arrive $0xFFFF  }
0x10c: {  	_ =	strace $0x90000047  }
0x10d: {  	s0 =	stileid.u32;
	[bflag:$0x2] =	sbarrier.arrive $0xFFFF  }
0x10e: {  	p0 =	sne.s32 s0, $0x0;
	s0 =	rddreg [dreg:$0x2]  }
0x10f: {  	s0 =	sadd.s32 @!p0 $0x100000, s0  }
0x110: {  	[sflag:s0] =	ssyncadd.tile.s32 @!p0 $0x1;
	_ =	shalt  }
.Lfunc_end2:
_tile_overlayer_lowered:
.L_overlay_start_2:
0x111: {  	(tag) =	ssettag $0x2  }
0x112: {  	s0 =	rddreg [dreg:$0x0];
	s2 =	stileid.u32  }
0x113: {  	s1 =	rddreg [dreg:$0x1];
	p0 =	sne.s32 s2, $0x0  }
0x114: {  	s3 =	rddreg [dreg:$0x2];
	[bflag:$0x3] =	sbarrier.arrive $0xFFFF;
	s2 =	simm.s32 @!p0 $0x1C09  }
0x115: {  	[timem:s3], [sflag:s2] =	dma.local @!p0 [hbm:s0], s1  }
0x116: {  	s0 =	simm.s32 @!p0 $0x9  }
0x117: {  	_ =	swait.ge @!p0 [sflag:s0], s1  }
0x118: {  	s1 =	ssub.s32 @!p0 $0x0, s1;
	[sflag:s0] =	ssyncset.done @!p0 $0x0  }
0x119: {  	[sflag:s0] =	ssyncadd.s32 @!p0 s1  }
0x11a: {  	[bflag:$0x3] =	sbarrier.arrive $0xFFFF  }
0x11b: {  	_ =	shalt  }

</sc_bundles>
